<compile_context>
chip_gen: v7x
topology: tpu7x:2x2x1
jax: 0.10.2.dev20260603
libtpu: 0.0.44.dev20260713+nightly
codegen_flags: <defaults>
</compile_context>

<pallas_src>
import functools

import jax
import jax.numpy as jnp
from jax import lax
from jax.experimental import pallas as pl
from jax.experimental.pallas import tpu as pltpu
from jax.experimental.pallas import tpu_sc as plsc

_NC = 2
_NS = 16
_NW = _NC * _NS
_CH = 128
_CT = 16
_RING = 6


def _sc_hist_body(NP, SL, KCH, dst_hbm, dstt_hbm, ones_hbm, zeros_hbm,
                  hist_out, dst_v, dstt_v, ones_v, hist_sh, hq):
    c = lax.axis_index("c")
    s = lax.axis_index("s")
    w = s * _NC + c
    pltpu.sync_copy(ones_hbm, ones_v)
    pltpu.sync_copy(zeros_hbm.at[pl.ds(s * SL, SL)],
                    hist_sh.at[pl.ds(s * SL, SL)])
    pltpu.sync_copy(dst_hbm.at[w], dst_v)
    pltpu.sync_copy(dstt_hbm.at[w], dstt_v)
    plsc.subcore_barrier()

    def body(i, carry):
        pltpu.async_copy(ones_v, hist_sh.at[dst_v.at[i]], hq, add=True)

        @pl.when(i >= 4)
        def _():
            pltpu.make_async_copy(ones_v, hist_sh.at[dst_v.at[i]], hq).wait()

        return carry

    lax.fori_loop(0, KCH, body, 0)
    for _ in range(min(4, KCH)):
        pltpu.make_async_copy(ones_v, hist_sh.at[dst_v.at[0]], hq).wait()
    pltpu.sync_copy(ones_v.at[pl.ds(0, _CT)], hist_sh.at[dstt_v], add=True)
    plsc.subcore_barrier()
    pltpu.sync_copy(hist_sh.at[pl.ds(s * SL, SL)],
                    hist_out.at[c, pl.ds(s * SL, SL)])


def _sc_agg_body(NP, SL, KCH, OUT, y_hbm, src_hbm, dst_hbm, srct_hbm,
                 dstt_hbm, zeros_hbm, agg_out, src_v, dst_v, srct_v, dstt_v,
                 r0, r1, r2, r3, r4, r5, rt, agg_sh,
                 g0, g1, g2, g3, g4, g5, s0, s1, s2, s3, s4, s5, gt):
    c = lax.axis_index("c")
    s = lax.axis_index("s")
    w = s * _NC + c
    pltpu.sync_copy(zeros_hbm.at[pl.ds(s * SL, SL)],
                    agg_sh.at[pl.ds(s * SL, SL)])
    pltpu.sync_copy(src_hbm.at[w], src_v)
    pltpu.sync_copy(dst_hbm.at[w], dst_v)
    pltpu.sync_copy(srct_hbm.at[w], srct_v)
    pltpu.sync_copy(dstt_hbm.at[w], dstt_v)
    plsc.subcore_barrier()

    bufs = (r0, r1, r2, r3, r4, r5)
    gsem = (g0, g1, g2, g3, g4, g5)
    ssem = (s0, s1, s2, s3, s4, s5)
    H = _RING // 2

    for j in range(H):
        pltpu.async_copy(y_hbm.at[src_v.at[j]], bufs[j], gsem[j])

    def step(i, b, b2):
        pltpu.make_async_copy(y_hbm.at[src_v.at[i]], bufs[b], gsem[b]).wait()
        pltpu.async_copy(bufs[b], agg_sh.at[dst_v.at[i]], ssem[b], add=True)

        @pl.when((i >= H) & (i + H < KCH))
        def _():
            pltpu.make_async_copy(bufs[b2], agg_sh.at[dst_v.at[i - H]],
                                  ssem[b2]).wait()
            pltpu.async_copy(y_hbm.at[src_v.at[i + H]], bufs[b2], gsem[b2])

        @pl.when((i < H) & (i + H < KCH))
        def _():
            pltpu.async_copy(y_hbm.at[src_v.at[i + H]], bufs[b2], gsem[b2])

    def body(i, carry):
        for r in range(_RING):
            @pl.when(lax.rem(i, _RING) == r)
            def _(r=r):
                step(i, r, (r + H) % _RING)
        return carry

    pltpu.async_copy(y_hbm.at[srct_v], rt, gt)
    lax.fori_loop(0, KCH, body, 0)
    for j in range(max(0, KCH - _RING), KCH):
        pltpu.make_async_copy(bufs[j % _RING], agg_sh.at[dst_v.at[j]],
                              ssem[j % _RING]).wait()
    pltpu.make_async_copy(y_hbm.at[srct_v], rt, gt).wait()
    pltpu.sync_copy(rt, agg_sh.at[dstt_v], add=True)
    plsc.subcore_barrier()
    pltpu.sync_copy(agg_sh.at[pl.ds(s * SL, SL)],
                    agg_out.at[c, pl.ds(s * SL, SL)])


def _tc_pre_body(D, xp_ref, xn_ref, g_ref, be_ref, W_ref, hist_ref, y_ref):
    g = g_ref[0:1, :]
    be = be_ref[0:1, :]

    def ln(x):
        mu = jnp.mean(x, axis=-1, keepdims=True)
        xc = x - mu
        var = jnp.mean(xc * xc, axis=-1, keepdims=True)
        return xc * lax.rsqrt(var + 1e-5) * g + be

    a = ln(xp_ref[...])
    b2 = ln(xn_ref[...])
    xw = (jnp.dot(a, W_ref[0:D, :], preferred_element_type=jnp.float32)
          + jnp.dot(b2, W_ref[D:2 * D, :], preferred_element_type=jnp.float32))
    h = hist_ref[...]
    deg = 1.0 + h[0, :, 0:1] + h[1, :, 0:1]
    y_ref[...] = xw * lax.rsqrt(deg)


def _tc_post_body(agg_ref, y_ref, hist_ref, b_ref, out_ref):
    h = hist_ref[...]
    deg = 1.0 + h[0, :, 0:1] + h[1, :, 0:1]
    dinv = lax.rsqrt(deg)
    acc = agg_ref[0] + agg_ref[1] + y_ref[...]
    out_ref[...] = acc * dinv + b_ref[0:1, :]


def kernel(x_prev, x_same, x_next, edge_index, gamma, beta, W, b):
    N, D = x_prev.shape
    OUT = W.shape[1]
    E = edge_index.shape[1]
    EW = E // _NW
    KCH = (EW - _CT) // _CH
    assert _NW * (KCH * _CH + _CT) == E
    NP = ((N + 127) // 128) * 128
    SL = NP // _NS
    RB = 1000
    GRID = N // RB

    f32 = jnp.float32
    src_w = edge_index[0].reshape(_NW, EW)
    dst_w = edge_index[1].reshape(_NW, EW)
    src3 = src_w[:, :KCH * _CH].reshape(_NW, KCH, _CH)
    dst3 = dst_w[:, :KCH * _CH].reshape(_NW, KCH, _CH)
    srct = src_w[:, KCH * _CH:]
    dstt = dst_w[:, KCH * _CH:]
    ones8 = jnp.ones((_CH, 8), f32)
    zeros8 = jnp.zeros((NP, 8), f32)
    zerosR = jnp.zeros((NP, OUT), f32)
    g2 = jnp.broadcast_to(gamma.reshape(1, D), (8, D))
    be2 = jnp.broadcast_to(beta.reshape(1, D), (8, D))
    b2 = jnp.broadcast_to(b.reshape(1, OUT), (8, OUT))

    mesh = plsc.VectorSubcoreMesh(core_axis_name="c", subcore_axis_name="s",
                                  num_cores=_NC, num_subcores=_NS)

    hist = pl.kernel(
        functools.partial(_sc_hist_body, NP, SL, KCH),
        out_type=jax.ShapeDtypeStruct((_NC, NP, 8), f32),
        mesh=mesh,
        compiler_params=pltpu.CompilerParams(use_tc_tiling_on_sc=False),
        scratch_types=[
            pltpu.VMEM((KCH, _CH), jnp.int32),
            pltpu.VMEM((_CT,), jnp.int32),
            pltpu.VMEM((_CH, 8), f32),
            pltpu.VMEM_SHARED((NP, 8), f32),
            pltpu.SemaphoreType.DMA,
        ],
    )(dst3, dstt, ones8, zeros8)

    y = pl.pallas_call(
        functools.partial(_tc_pre_body, D),
        grid=(GRID,),
        in_specs=[
            pl.BlockSpec((RB, D), lambda i: (i, 0)),
            pl.BlockSpec((RB, D), lambda i: (i, 0)),
            pl.BlockSpec((8, D), lambda i: (0, 0)),
            pl.BlockSpec((8, D), lambda i: (0, 0)),
            pl.BlockSpec((2 * D, OUT), lambda i: (0, 0)),
            pl.BlockSpec((_NC, RB, 8), lambda i: (0, i, 0)),
        ],
        out_specs=pl.BlockSpec((RB, OUT), lambda i: (i, 0)),
        out_shape=jax.ShapeDtypeStruct((N, OUT), f32),
    )(x_prev, x_next, g2, be2, W, hist)

    agg = pl.kernel(
        functools.partial(_sc_agg_body, NP, SL, KCH, OUT),
        out_type=jax.ShapeDtypeStruct((_NC, NP, OUT), f32),
        mesh=mesh,
        compiler_params=pltpu.CompilerParams(use_tc_tiling_on_sc=False),
        scratch_types=[
            pltpu.VMEM((KCH, _CH), jnp.int32),
            pltpu.VMEM((KCH, _CH), jnp.int32),
            pltpu.VMEM((_CT,), jnp.int32),
            pltpu.VMEM((_CT,), jnp.int32),
        ] + [pltpu.VMEM((_CH, OUT), f32)] * _RING + [
            pltpu.VMEM((_CT, OUT), f32),
            pltpu.VMEM_SHARED((NP, OUT), f32),
        ] + [pltpu.SemaphoreType.DMA] * (2 * _RING + 1),
    )(y, src3, dst3, srct, dstt, zerosR)

    out = pl.pallas_call(
        _tc_post_body,
        grid=(GRID,),
        in_specs=[
            pl.BlockSpec((_NC, RB, OUT), lambda i: (0, i, 0)),
            pl.BlockSpec((RB, OUT), lambda i: (i, 0)),
            pl.BlockSpec((_NC, RB, 8), lambda i: (0, i, 0)),
            pl.BlockSpec((8, OUT), lambda i: (0, 0)),
        ],
        out_specs=pl.BlockSpec((RB, OUT), lambda i: (i, 0)),
        out_shape=jax.ShapeDtypeStruct((N, OUT), f32),
    )(agg, y, hist, b2)

    return out

# --- scband reference (transcript-rebuilt; emitter-appended) ---
"""Pipeline reference for scband-gnntop2-input-sf-12850542149845 (READ-ONLY COPY).

The authoritative reference and input builder live on the scoring server;
editing this copy changes nothing except your own understanding.
"""

import jax, jax.numpy as jnp
import numpy as np

N = 10000
E = 320000
D = 64
OUT = 64


def _layer_norm(x, gamma, beta, eps=1e-5):
    mu = jnp.mean(x, axis=-1, keepdims=True)
    var = jnp.var(x, axis=-1, keepdims=True)
    return (x - mu) / jnp.sqrt(var + eps) * gamma + beta


def setup_inputs(seed: int = 0) -> dict:
    key = jax.random.key(seed)
    ks = jax.random.split(key, 6)
    x_prev = jax.random.normal(ks[0], (N, D), dtype=jnp.float32)
    x_same = jax.random.normal(ks[1], (N, D), dtype=jnp.float32)
    x_next = jax.random.normal(ks[2], (N, D), dtype=jnp.float32)
    edge_index = jax.random.randint(ks[3], (2, E), 0, N, dtype=jnp.int32)
    gamma = jnp.ones((D,), dtype=jnp.float32)
    beta = jnp.zeros((D,), dtype=jnp.float32)
    W = jax.random.normal(ks[4], (2 * D, OUT), dtype=jnp.float32) * (1.0 / np.sqrt(2 * D))
    b = jnp.zeros((OUT,), dtype=jnp.float32)
    return {"x_prev": x_prev, "x_same": x_same, "x_next": x_next, "edge_index": edge_index,
            "gamma": gamma, "beta": beta, "W": W, "b": b}


def reference(x_prev, x_same, x_next, edge_index, gamma, beta, W, b):
    # GNNTop2InputSFLayer.forward:
    #   x = cat(norm(x_prev), norm(x_next)).detach(); new_x = gnn_layer(x, edge_index)
    x = jnp.concatenate([_layer_norm(x_prev, gamma, beta), _layer_norm(x_next, gamma, beta)], axis=1)
    x = jax.lax.stop_gradient(x)  # .detach() in torch
    # GCNConv with added self-loops and symmetric normalization
    src = edge_index[0]
    dst = edge_index[1]
    loop = jnp.arange(N, dtype=src.dtype)
    src = jnp.concatenate([src, loop])
    dst = jnp.concatenate([dst, loop])
    xw = x @ W
    deg = jnp.zeros((N,), dtype=jnp.float32).at[dst].add(1.0)
    dinv = jnp.where(deg > 0, jax.lax.rsqrt(jnp.maximum(deg, 1e-12)), 0.0)
    norm = dinv[src] * dinv[dst]
    msg = xw[src] * norm[:, None]
    out = jnp.zeros((N, OUT), dtype=jnp.float32).at[dst].add(msg)
    out = out + b
    return out

if __name__ == "__main__":
    import jax
    _d = setup_inputs()
    print(jax.jit(kernel)(*tuple(_d.values())))

</pallas_src>

<mosaic_0001>
#map = affine_map<(d0, d1) -> (0, 0, 0)>
#map1 = affine_map<(d0, d1) -> (0, 0)>
module attributes {stable_mosaic.version = 14 : i64} {
  func.func @_sc_hist_body(%arg0: i32, %arg1: i32, %arg2: memref<32x78x128xi32, #tpu.memory_space<hbm>>, %arg3: memref<32x16xi32, #tpu.memory_space<hbm>>, %arg4: memref<128x8xf32, #tpu.memory_space<hbm>>, %arg5: memref<10112x8xf32, #tpu.memory_space<hbm>>, %arg6: memref<2x10112x8xf32, #tpu.memory_space<hbm>>, %arg7: memref<78x128xi32, #tpu.memory_space<vmem>>, %arg8: memref<16xi32, #tpu.memory_space<vmem>>, %arg9: memref<128x8xf32, #tpu.memory_space<vmem>>, %arg10: memref<10112x8xf32, #tpu.memory_space<vmem_shared>>, %arg11: memref<!tpu.dma_semaphore, #tpu.memory_space<semaphore_mem>>) attributes {dimension_semantics = [#tpu.dimension_semantics<core_parallel>, #tpu.dimension_semantics<subcore_parallel>], iteration_bounds = array<i64: 2, 16>, scalar_prefetch = 0 : i64, scratch_operands = 5 : i64, tpu.core_type = #tpu.core_type<sc_vector_subcore>, window_params = [{transform_indices = #map}, {transform_indices = #map1}, {transform_indices = #map1}, {transform_indices = #map1}, {transform_indices = #map}]} {
    %mul3A = arith.constant 2 : i32
    %mul3A_0 = arith.muli %arg1, %mul3A : i32
    %add3A = arith.addi %mul3A_0, %arg0 : i32
    "tpu.region"() ({
      %run_scoped3A = tpu.sem_alloc : memref<!tpu.dma_semaphore, #tpu.memory_space<semaphore_mem>>
      tpu.enqueue_dma source(%arg4 : memref<128x8xf32, #tpu.memory_space<hbm>>) target(%arg9 : memref<128x8xf32, #tpu.memory_space<vmem>>) target_semaphore(%run_scoped3A : memref<!tpu.dma_semaphore, #tpu.memory_space<semaphore_mem>>)
      tpu.wait_dma2 semaphore(%run_scoped3A : memref<!tpu.dma_semaphore, #tpu.memory_space<semaphore_mem>>) src(%arg4 : memref<128x8xf32, #tpu.memory_space<hbm>>) dst(%arg9 : memref<128x8xf32, #tpu.memory_space<vmem>>)
      tpu.yield
    }) : () -> ()
    %mul3A_1 = arith.constant 632 : i32
    %mul3A_2 = arith.muli %arg1, %mul3A_1 : i32
    %mul3A_3 = arith.constant 632 : i32
    %mul3A_4 = arith.muli %arg1, %mul3A_3 : i32
    "tpu.region"() ({
      %run_scoped3A = tpu.sem_alloc : memref<!tpu.dma_semaphore, #tpu.memory_space<semaphore_mem>>
      %dma_start3A = arith.constant 0 : i32
      %dma_start3A_42 = tpu.memref_slice %arg10[%mul3A_4, %dma_start3A] : memref<10112x8xf32, #tpu.memory_space<vmem_shared>> -> memref<632x8xf32, #tpu.memory_space<vmem_shared>>
      %dma_start3A_43 = arith.constant 0 : i32
      %dma_start3A_44 = tpu.memref_slice %arg5[%mul3A_2, %dma_start3A_43] : memref<10112x8xf32, #tpu.memory_space<hbm>> -> memref<632x8xf32, #tpu.memory_space<hbm>>
      tpu.enqueue_dma source(%dma_start3A_44 : memref<632x8xf32, #tpu.memory_space<hbm>>) target(%dma_start3A_42 : memref<632x8xf32, #tpu.memory_space<vmem_shared>>) target_semaphore(%run_scoped3A : memref<!tpu.dma_semaphore, #tpu.memory_space<semaphore_mem>>)
      %dma_wait3A_45 = arith.constant 0 : i32
      %dma_wait3A_46 = tpu.memref_slice %arg10[%mul3A_4, %dma_wait3A_45] : memref<10112x8xf32, #tpu.memory_space<vmem_shared>> -> memref<632x8xf32, #tpu.memory_space<vmem_shared>>
      %dma_wait3A_47 = arith.constant 0 : i32
      %dma_wait3A_48 = tpu.memref_slice %arg5[%mul3A_2, %dma_wait3A_47] : memref<10112x8xf32, #tpu.memory_space<hbm>> -> memref<632x8xf32, #tpu.memory_space<hbm>>
      tpu.wait_dma2 semaphore(%run_scoped3A : memref<!tpu.dma_semaphore, #tpu.memory_space<semaphore_mem>>) src(%dma_wait3A_48 : memref<632x8xf32, #tpu.memory_space<hbm>>) dst(%dma_wait3A_46 : memref<632x8xf32, #tpu.memory_space<vmem_shared>>)
      tpu.yield
    }) : () -> ()
    "tpu.region"() ({
      %run_scoped3A = tpu.sem_alloc : memref<!tpu.dma_semaphore, #tpu.memory_space<semaphore_mem>>
      %dma_start3A = arith.constant 0 : i32
      %dma_start3A_42 = arith.constant 0 : i32
      %dma_start3A_43 = tpu.memref_slice %arg2[%add3A, %dma_start3A, %dma_start3A_42] : memref<32x78x128xi32, #tpu.memory_space<hbm>> -> memref<1x78x128xi32, #tpu.memory_space<hbm>>
      %dma_start3A_44 = tpu.memref_squeeze %dma_start3A_43 : memref<1x78x128xi32, #tpu.memory_space<hbm>> -> memref<78x128xi32, #tpu.memory_space<hbm>>
      %dma_start3A_45 = arith.constant 0 : i32
      %dma_start3A_46 = arith.constant 0 : i32
      %dma_start3A_47 = tpu.memref_slice %arg2[%add3A, %dma_start3A_45, %dma_start3A_46] : memref<32x78x128xi32, #tpu.memory_space<hbm>> -> memref<1x78x128xi32, #tpu.memory_space<hbm>>
      %dma_start3A_48 = tpu.memref_squeeze %dma_start3A_47 : memref<1x78x128xi32, #tpu.memory_space<hbm>> -> memref<78x128xi32, #tpu.memory_space<hbm>>
      tpu.enqueue_dma source(%dma_start3A_48 : memref<78x128xi32, #tpu.memory_space<hbm>>) target(%arg7 : memref<78x128xi32, #tpu.memory_space<vmem>>) target_semaphore(%run_scoped3A : memref<!tpu.dma_semaphore, #tpu.memory_space<semaphore_mem>>)
      %dma_wait3A_49 = arith.constant 0 : i32
      %dma_wait3A_50 = arith.constant 0 : i32
      %dma_wait3A_51 = tpu.memref_slice %arg2[%add3A, %dma_wait3A_49, %dma_wait3A_50] : memref<32x78x128xi32, #tpu.memory_space<hbm>> -> memref<1x78x128xi32, #tpu.memory_space<hbm>>
      %dma_wait3A_52 = tpu.memref_squeeze %dma_wait3A_51 : memref<1x78x128xi32, #tpu.memory_space<hbm>> -> memref<78x128xi32, #tpu.memory_space<hbm>>
      %dma_wait3A_53 = arith.constant 0 : i32
      %dma_wait3A_54 = arith.constant 0 : i32
      %dma_wait3A_55 = tpu.memref_slice %arg2[%add3A, %dma_wait3A_53, %dma_wait3A_54] : memref<32x78x128xi32, #tpu.memory_space<hbm>> -> memref<1x78x128xi32, #tpu.memory_space<hbm>>
      %dma_wait3A_56 = tpu.memref_squeeze %dma_wait3A_55 : memref<1x78x128xi32, #tpu.memory_space<hbm>> -> memref<78x128xi32, #tpu.memory_space<hbm>>
      tpu.wait_dma2 semaphore(%run_scoped3A : memref<!tpu.dma_semaphore, #tpu.memory_space<semaphore_mem>>) src(%dma_wait3A_56 : memref<78x128xi32, #tpu.memory_space<hbm>>) dst(%arg7 : memref<78x128xi32, #tpu.memory_space<vmem>>)
      tpu.yield
    }) : () -> ()
    "tpu.region"() ({
      %run_scoped3A = tpu.sem_alloc : memref<!tpu.dma_semaphore, #tpu.memory_space<semaphore_mem>>
      %dma_start3A = arith.constant 0 : i32
      %dma_start3A_42 = tpu.memref_slice %arg3[%add3A, %dma_start3A] : memref<32x16xi32, #tpu.memory_space<hbm>> -> memref<1x16xi32, #tpu.memory_space<hbm>>
      %dma_start3A_43 = tpu.memref_squeeze %dma_start3A_42 : memref<1x16xi32, #tpu.memory_space<hbm>> -> memref<16xi32, #tpu.memory_space<hbm>>
      %dma_start3A_44 = arith.constant 0 : i32
      %dma_start3A_45 = tpu.memref_slice %arg3[%add3A, %dma_start3A_44] : memref<32x16xi32, #tpu.memory_space<hbm>> -> memref<1x16xi32, #tpu.memory_space<hbm>>
      %dma_start3A_46 = tpu.memref_squeeze %dma_start3A_45 : memref<1x16xi32, #tpu.memory_space<hbm>> -> memref<16xi32, #tpu.memory_space<hbm>>
      tpu.enqueue_dma source(%dma_start3A_46 : memref<16xi32, #tpu.memory_space<hbm>>) target(%arg8 : memref<16xi32, #tpu.memory_space<vmem>>) target_semaphore(%run_scoped3A : memref<!tpu.dma_semaphore, #tpu.memory_space<semaphore_mem>>)
      %dma_wait3A_47 = arith.constant 0 : i32
      %dma_wait3A_48 = tpu.memref_slice %arg3[%add3A, %dma_wait3A_47] : memref<32x16xi32, #tpu.memory_space<hbm>> -> memref<1x16xi32, #tpu.memory_space<hbm>>
      %dma_wait3A_49 = tpu.memref_squeeze %dma_wait3A_48 : memref<1x16xi32, #tpu.memory_space<hbm>> -> memref<16xi32, #tpu.memory_space<hbm>>
      %dma_wait3A_50 = arith.constant 0 : i32
      %dma_wait3A_51 = tpu.memref_slice %arg3[%add3A, %dma_wait3A_50] : memref<32x16xi32, #tpu.memory_space<hbm>> -> memref<1x16xi32, #tpu.memory_space<hbm>>
      %dma_wait3A_52 = tpu.memref_squeeze %dma_wait3A_51 : memref<1x16xi32, #tpu.memory_space<hbm>> -> memref<16xi32, #tpu.memory_space<hbm>>
      tpu.wait_dma2 semaphore(%run_scoped3A : memref<!tpu.dma_semaphore, #tpu.memory_space<semaphore_mem>>) src(%dma_wait3A_52 : memref<16xi32, #tpu.memory_space<hbm>>) dst(%arg8 : memref<16xi32, #tpu.memory_space<vmem>>)
      tpu.yield
    }) : () -> ()
    %barrier3A = arith.constant 0 : index
    tpu.barrier barrier_id(%barrier3A)
    %scan3A = arith.constant 0 : i32
    %scan3A_5 = arith.constant 0 : i32
    %scan3A_6 = arith.constant 78 : i32
    %scan3A_7 = arith.addi %scan3A_5, %scan3A_6 : i32
    %scan3A_8 = arith.constant 1 : i32
    scf.for %scan3A_42 = %scan3A_5 to %scan3A_7 step %scan3A_8  : i32 {
      %dma_start3A = arith.constant 0 : i32
      %dma_start3A_43 = tpu.memref_slice %arg7[%scan3A_42, %dma_start3A] : memref<78x128xi32, #tpu.memory_space<vmem>> -> memref<1x128xi32, #tpu.memory_space<vmem>>
      %dma_start3A_44 = tpu.memref_squeeze %dma_start3A_43 : memref<1x128xi32, #tpu.memory_space<vmem>> -> memref<128xi32, #tpu.memory_space<vmem>>
      %dma_start3A_45 = arith.constant 0 : i32
      %dma_start3A_46 = arith.constant 0 : i32
      %dma_start3A_47 = tpu.memref_slice %arg10[%dma_start3A_45, %dma_start3A_46] : memref<10112x8xf32, #tpu.memory_space<vmem_shared>> -> memref<10112x8xf32, #tpu.memory_space<vmem_shared>>
      tpu.enqueue_indirect_dma source(%arg9 : memref<128x8xf32, #tpu.memory_space<vmem>>) target(%dma_start3A_47 : memref<10112x8xf32, #tpu.memory_space<vmem_shared>>) offsets(%dma_start3A_44 : memref<128xi32, #tpu.memory_space<vmem>>) semaphore(%arg11 : memref<!tpu.dma_semaphore, #tpu.memory_space<semaphore_mem>>) {add = true}
      %ge3A = arith.constant 4 : i32
      %ge3A_48 = arith.cmpi sge, %scan3A_42, %ge3A : i32
      %convert_element_type3A = arith.extui %ge3A_48 : i1 to i32
      %cond3A = arith.constant 0 : i32
      %cond3A_49 = arith.cmpi ne, %convert_element_type3A, %cond3A : i32
      scf.if %cond3A_49 {
        %dma_wait3A_50 = arith.constant 0 : i32
        %dma_wait3A_51 = tpu.memref_slice %arg7[%scan3A_42, %dma_wait3A_50] : memref<78x128xi32, #tpu.memory_space<vmem>> -> memref<1x128xi32, #tpu.memory_space<vmem>>
        %dma_wait3A_52 = tpu.memref_squeeze %dma_wait3A_51 : memref<1x128xi32, #tpu.memory_space<vmem>> -> memref<128xi32, #tpu.memory_space<vmem>>
        %dma_wait3A_53 = arith.constant 0 : i32
        %dma_wait3A_54 = arith.constant 0 : i32
        %dma_wait3A_55 = tpu.memref_slice %arg10[%dma_wait3A_53, %dma_wait3A_54] : memref<10112x8xf32, #tpu.memory_space<vmem_shared>> -> memref<10112x8xf32, #tpu.memory_space<vmem_shared>>
        tpu.wait_indirect_dma semaphore(%arg11 : memref<!tpu.dma_semaphore, #tpu.memory_space<semaphore_mem>>) src(%arg9 : memref<128x8xf32, #tpu.memory_space<vmem>>) dst(%dma_wait3A_55 : memref<10112x8xf32, #tpu.memory_space<vmem_shared>>)
      } else {
      }
    }
    %scan3A_9 = arith.constant 78 : i32
    %dma_wait3A = arith.constant 0 : i32
    %dma_wait3A_10 = arith.constant 0 : i32
    %dma_wait3A_11 = tpu.memref_slice %arg7[%dma_wait3A, %dma_wait3A_10] : memref<78x128xi32, #tpu.memory_space<vmem>> -> memref<1x128xi32, #tpu.memory_space<vmem>>
    %dma_wait3A_12 = tpu.memref_squeeze %dma_wait3A_11 : memref<1x128xi32, #tpu.memory_space<vmem>> -> memref<128xi32, #tpu.memory_space<vmem>>
    %dma_wait3A_13 = arith.constant 0 : i32
    %dma_wait3A_14 = arith.constant 0 : i32
    %dma_wait3A_15 = tpu.memref_slice %arg10[%dma_wait3A_13, %dma_wait3A_14] : memref<10112x8xf32, #tpu.memory_space<vmem_shared>> -> memref<10112x8xf32, #tpu.memory_space<vmem_shared>>
    tpu.wait_indirect_dma semaphore(%arg11 : memref<!tpu.dma_semaphore, #tpu.memory_space<semaphore_mem>>) src(%arg9 : memref<128x8xf32, #tpu.memory_space<vmem>>) dst(%dma_wait3A_15 : memref<10112x8xf32, #tpu.memory_space<vmem_shared>>)
    %dma_wait3A_16 = arith.constant 0 : i32
    %dma_wait3A_17 = arith.constant 0 : i32
    %dma_wait3A_18 = tpu.memref_slice %arg7[%dma_wait3A_16, %dma_wait3A_17] : memref<78x128xi32, #tpu.memory_space<vmem>> -> memref<1x128xi32, #tpu.memory_space<vmem>>
    %dma_wait3A_19 = tpu.memref_squeeze %dma_wait3A_18 : memref<1x128xi32, #tpu.memory_space<vmem>> -> memref<128xi32, #tpu.memory_space<vmem>>
    %dma_wait3A_20 = arith.constant 0 : i32
    %dma_wait3A_21 = arith.constant 0 : i32
    %dma_wait3A_22 = tpu.memref_slice %arg10[%dma_wait3A_20, %dma_wait3A_21] : memref<10112x8xf32, #tpu.memory_space<vmem_shared>> -> memref<10112x8xf32, #tpu.memory_space<vmem_shared>>
    tpu.wait_indirect_dma semaphore(%arg11 : memref<!tpu.dma_semaphore, #tpu.memory_space<semaphore_mem>>) src(%arg9 : memref<128x8xf32, #tpu.memory_space<vmem>>) dst(%dma_wait3A_22 : memref<10112x8xf32, #tpu.memory_space<vmem_shared>>)
    %dma_wait3A_23 = arith.constant 0 : i32
    %dma_wait3A_24 = arith.constant 0 : i32
    %dma_wait3A_25 = tpu.memref_slice %arg7[%dma_wait3A_23, %dma_wait3A_24] : memref<78x128xi32, #tpu.memory_space<vmem>> -> memref<1x128xi32, #tpu.memory_space<vmem>>
    %dma_wait3A_26 = tpu.memref_squeeze %dma_wait3A_25 : memref<1x128xi32, #tpu.memory_space<vmem>> -> memref<128xi32, #tpu.memory_space<vmem>>
    %dma_wait3A_27 = arith.constant 0 : i32
    %dma_wait3A_28 = arith.constant 0 : i32
    %dma_wait3A_29 = tpu.memref_slice %arg10[%dma_wait3A_27, %dma_wait3A_28] : memref<10112x8xf32, #tpu.memory_space<vmem_shared>> -> memref<10112x8xf32, #tpu.memory_space<vmem_shared>>
    tpu.wait_indirect_dma semaphore(%arg11 : memref<!tpu.dma_semaphore, #tpu.memory_space<semaphore_mem>>) src(%arg9 : memref<128x8xf32, #tpu.memory_space<vmem>>) dst(%dma_wait3A_29 : memref<10112x8xf32, #tpu.memory_space<vmem_shared>>)
    %dma_wait3A_30 = arith.constant 0 : i32
    %dma_wait3A_31 = arith.constant 0 : i32
    %dma_wait3A_32 = tpu.memref_slice %arg7[%dma_wait3A_30, %dma_wait3A_31] : memref<78x128xi32, #tpu.memory_space<vmem>> -> memref<1x128xi32, #tpu.memory_space<vmem>>
    %dma_wait3A_33 = tpu.memref_squeeze %dma_wait3A_32 : memref<1x128xi32, #tpu.memory_space<vmem>> -> memref<128xi32, #tpu.memory_space<vmem>>
    %dma_wait3A_34 = arith.constant 0 : i32
    %dma_wait3A_35 = arith.constant 0 : i32
    %dma_wait3A_36 = tpu.memref_slice %arg10[%dma_wait3A_34, %dma_wait3A_35] : memref<10112x8xf32, #tpu.memory_space<vmem_shared>> -> memref<10112x8xf32, #tpu.memory_space<vmem_shared>>
    tpu.wait_indirect_dma semaphore(%arg11 : memref<!tpu.dma_semaphore, #tpu.memory_space<semaphore_mem>>) src(%arg9 : memref<128x8xf32, #tpu.memory_space<vmem>>) dst(%dma_wait3A_36 : memref<10112x8xf32, #tpu.memory_space<vmem_shared>>)
    "tpu.region"() ({
      %run_scoped3A = tpu.sem_alloc : memref<!tpu.dma_semaphore, #tpu.memory_space<semaphore_mem>>
      %dma_start3A = arith.constant 0 : i32
      %dma_start3A_42 = arith.constant 0 : i32
      %dma_start3A_43 = tpu.memref_slice %arg9[%dma_start3A, %dma_start3A_42] : memref<128x8xf32, #tpu.memory_space<vmem>> -> memref<16x8xf32, #tpu.memory_space<vmem>>
      %dma_start3A_44 = arith.constant 0 : i32
      %dma_start3A_45 = arith.constant 0 : i32
      %dma_start3A_46 = tpu.memref_slice %arg10[%dma_start3A_44, %dma_start3A_45] : memref<10112x8xf32, #tpu.memory_space<vmem_shared>> -> memref<10112x8xf32, #tpu.memory_space<vmem_shared>>
      tpu.enqueue_indirect_dma source(%dma_start3A_43 : memref<16x8xf32, #tpu.memory_space<vmem>>) target(%dma_start3A_46 : memref<10112x8xf32, #tpu.memory_space<vmem_shared>>) offsets(%arg8 : memref<16xi32, #tpu.memory_space<vmem>>) semaphore(%run_scoped3A : memref<!tpu.dma_semaphore, #tpu.memory_space<semaphore_mem>>) {add = true}
      %dma_wait3A_47 = arith.constant 0 : i32
      %dma_wait3A_48 = arith.constant 0 : i32
      %dma_wait3A_49 = tpu.memref_slice %arg9[%dma_wait3A_47, %dma_wait3A_48] : memref<128x8xf32, #tpu.memory_space<vmem>> -> memref<16x8xf32, #tpu.memory_space<vmem>>
      %dma_wait3A_50 = arith.constant 0 : i32
      %dma_wait3A_51 = arith.constant 0 : i32
      %dma_wait3A_52 = tpu.memref_slice %arg10[%dma_wait3A_50, %dma_wait3A_51] : memref<10112x8xf32, #tpu.memory_space<vmem_shared>> -> memref<10112x8xf32, #tpu.memory_space<vmem_shared>>
      tpu.wait_indirect_dma semaphore(%run_scoped3A : memref<!tpu.dma_semaphore, #tpu.memory_space<semaphore_mem>>) src(%dma_wait3A_49 : memref<16x8xf32, #tpu.memory_space<vmem>>) dst(%dma_wait3A_52 : memref<10112x8xf32, #tpu.memory_space<vmem_shared>>)
      tpu.yield
    }) : () -> ()
    %barrier3A_37 = arith.constant 0 : index
    tpu.barrier barrier_id(%barrier3A_37)
    %mul3A_38 = arith.constant 632 : i32
    %mul3A_39 = arith.muli %arg1, %mul3A_38 : i32
    %mul3A_40 = arith.constant 632 : i32
    %mul3A_41 = arith.muli %arg1, %mul3A_40 : i32
    "tpu.region"() ({
      %run_scoped3A = tpu.sem_alloc : memref<!tpu.dma_semaphore, #tpu.memory_space<semaphore_mem>>
      %dma_start3A = arith.constant 0 : i32
      %dma_start3A_42 = tpu.memref_slice %arg6[%arg0, %mul3A_41, %dma_start3A] : memref<2x10112x8xf32, #tpu.memory_space<hbm>> -> memref<1x632x8xf32, #tpu.memory_space<hbm>>
      %dma_start3A_43 = tpu.memref_squeeze %dma_start3A_42 : memref<1x632x8xf32, #tpu.memory_space<hbm>> -> memref<632x8xf32, #tpu.memory_space<hbm>>
      %dma_start3A_44 = arith.constant 0 : i32
      %dma_start3A_45 = tpu.memref_slice %arg10[%mul3A_39, %dma_start3A_44] : memref<10112x8xf32, #tpu.memory_space<vmem_shared>> -> memref<632x8xf32, #tpu.memory_space<vmem_shared>>
      tpu.enqueue_dma source(%dma_start3A_45 : memref<632x8xf32, #tpu.memory_space<vmem_shared>>) target(%dma_start3A_43 : memref<632x8xf32, #tpu.memory_space<hbm>>) target_semaphore(%run_scoped3A : memref<!tpu.dma_semaphore, #tpu.memory_space<semaphore_mem>>)
      %dma_wait3A_46 = arith.constant 0 : i32
      %dma_wait3A_47 = tpu.memref_slice %arg6[%arg0, %mul3A_41, %dma_wait3A_46] : memref<2x10112x8xf32, #tpu.memory_space<hbm>> -> memref<1x632x8xf32, #tpu.memory_space<hbm>>
      %dma_wait3A_48 = tpu.memref_squeeze %dma_wait3A_47 : memref<1x632x8xf32, #tpu.memory_space<hbm>> -> memref<632x8xf32, #tpu.memory_space<hbm>>
      %dma_wait3A_49 = arith.constant 0 : i32
      %dma_wait3A_50 = tpu.memref_slice %arg10[%mul3A_39, %dma_wait3A_49] : memref<10112x8xf32, #tpu.memory_space<vmem_shared>> -> memref<632x8xf32, #tpu.memory_space<vmem_shared>>
      tpu.wait_dma2 semaphore(%run_scoped3A : memref<!tpu.dma_semaphore, #tpu.memory_space<semaphore_mem>>) src(%dma_wait3A_50 : memref<632x8xf32, #tpu.memory_space<vmem_shared>>) dst(%dma_wait3A_48 : memref<632x8xf32, #tpu.memory_space<hbm>>)
      tpu.yield
    }) : () -> ()
    return
  }
}

#map = affine_map<(d0, d1) -> (0, 0)>
#map1 = affine_map<(d0, d1) -> (0, 0, 0)>
module attributes {stable_mosaic.version = 14 : i64} {
  func.func @_sc_agg_body(%arg0: i32, %arg1: i32, %arg2: memref<10000x64xf32, #tpu.memory_space<hbm>>, %arg3: memref<32x78x128xi32, #tpu.memory_space<hbm>>, %arg4: memref<32x78x128xi32, #tpu.memory_space<hbm>>, %arg5: memref<32x16xi32, #tpu.memory_space<hbm>>, %arg6: memref<32x16xi32, #tpu.memory_space<hbm>>, %arg7: memref<10112x64xf32, #tpu.memory_space<hbm>>, %arg8: memref<2x10112x64xf32, #tpu.memory_space<hbm>>, %arg9: memref<78x128xi32, #tpu.memory_space<vmem>>, %arg10: memref<78x128xi32, #tpu.memory_space<vmem>>, %arg11: memref<16xi32, #tpu.memory_space<vmem>>, %arg12: memref<16xi32, #tpu.memory_space<vmem>>, %arg13: memref<128x64xf32, #tpu.memory_space<vmem>>, %arg14: memref<128x64xf32, #tpu.memory_space<vmem>>, %arg15: memref<128x64xf32, #tpu.memory_space<vmem>>, %arg16: memref<128x64xf32, #tpu.memory_space<vmem>>, %arg17: memref<128x64xf32, #tpu.memory_space<vmem>>, %arg18: memref<128x64xf32, #tpu.memory_space<vmem>>, %arg19: memref<16x64xf32, #tpu.memory_space<vmem>>, %arg20: memref<10112x64xf32, #tpu.memory_space<vmem_shared>>, %arg21: memref<!tpu.dma_semaphore, #tpu.memory_space<semaphore_mem>>, %arg22: memref<!tpu.dma_semaphore, #tpu.memory_space<semaphore_mem>>, %arg23: memref<!tpu.dma_semaphore, #tpu.memory_space<semaphore_mem>>, %arg24: memref<!tpu.dma_semaphore, #tpu.memory_space<semaphore_mem>>, %arg25: memref<!tpu.dma_semaphore, #tpu.memory_space<semaphore_mem>>, %arg26: memref<!tpu.dma_semaphore, #tpu.memory_space<semaphore_mem>>, %arg27: memref<!tpu.dma_semaphore, #tpu.memory_space<semaphore_mem>>, %arg28: memref<!tpu.dma_semaphore, #tpu.memory_space<semaphore_mem>>, %arg29: memref<!tpu.dma_semaphore, #tpu.memory_space<semaphore_mem>>, %arg30: memref<!tpu.dma_semaphore, #tpu.memory_space<semaphore_mem>>, %arg31: memref<!tpu.dma_semaphore, #tpu.memory_space<semaphore_mem>>, %arg32: memref<!tpu.dma_semaphore, #tpu.memory_space<semaphore_mem>>, %arg33: memref<!tpu.dma_semaphore, #tpu.memory_space<semaphore_mem>>) attributes {dimension_semantics = [#tpu.dimension_semantics<core_parallel>, #tpu.dimension_semantics<subcore_parallel>], iteration_bounds = array<i64: 2, 16>, scalar_prefetch = 0 : i64, scratch_operands = 25 : i64, tpu.core_type = #tpu.core_type<sc_vector_subcore>, window_params = [{transform_indices = #map}, {transform_indices = #map1}, {transform_indices = #map1}, {transform_indices = #map}, {transform_indices = #map}, {transform_indices = #map}, {transform_indices = #map1}]} {
    %mul3A = arith.constant 2 : i32
    %mul3A_0 = arith.muli %arg1, %mul3A : i32
    %add3A = arith.addi %mul3A_0, %arg0 : i32
    %mul3A_1 = arith.constant 632 : i32
    %mul3A_2 = arith.muli %arg1, %mul3A_1 : i32
    %mul3A_3 = arith.constant 632 : i32
    %mul3A_4 = arith.muli %arg1, %mul3A_3 : i32
    "tpu.region"() ({
      %run_scoped3A = tpu.sem_alloc : memref<!tpu.dma_semaphore, #tpu.memory_space<semaphore_mem>>
      %dma_start3A_82 = arith.constant 0 : i32
      %dma_start3A_83 = tpu.memref_slice %arg20[%mul3A_4, %dma_start3A_82] : memref<10112x64xf32, #tpu.memory_space<vmem_shared>> -> memref<632x64xf32, #tpu.memory_space<vmem_shared>>
      %dma_start3A_84 = arith.constant 0 : i32
      %dma_start3A_85 = tpu.memref_slice %arg7[%mul3A_2, %dma_start3A_84] : memref<10112x64xf32, #tpu.memory_space<hbm>> -> memref<632x64xf32, #tpu.memory_space<hbm>>
      tpu.enqueue_dma source(%dma_start3A_85 : memref<632x64xf32, #tpu.memory_space<hbm>>) target(%dma_start3A_83 : memref<632x64xf32, #tpu.memory_space<vmem_shared>>) target_semaphore(%run_scoped3A : memref<!tpu.dma_semaphore, #tpu.memory_space<semaphore_mem>>)
      %dma_wait3A_86 = arith.constant 0 : i32
      %dma_wait3A_87 = tpu.memref_slice %arg20[%mul3A_4, %dma_wait3A_86] : memref<10112x64xf32, #tpu.memory_space<vmem_shared>> -> memref<632x64xf32, #tpu.memory_space<vmem_shared>>
      %dma_wait3A_88 = arith.constant 0 : i32
      %dma_wait3A_89 = tpu.memref_slice %arg7[%mul3A_2, %dma_wait3A_88] : memref<10112x64xf32, #tpu.memory_space<hbm>> -> memref<632x64xf32, #tpu.memory_space<hbm>>
      tpu.wait_dma2 semaphore(%run_scoped3A : memref<!tpu.dma_semaphore, #tpu.memory_space<semaphore_mem>>) src(%dma_wait3A_89 : memref<632x64xf32, #tpu.memory_space<hbm>>) dst(%dma_wait3A_87 : memref<632x64xf32, #tpu.memory_space<vmem_shared>>)
      tpu.yield
    }) : () -> ()
    "tpu.region"() ({
      %run_scoped3A = tpu.sem_alloc : memref<!tpu.dma_semaphore, #tpu.memory_space<semaphore_mem>>
      %dma_start3A_82 = arith.constant 0 : i32
      %dma_start3A_83 = arith.constant 0 : i32
      %dma_start3A_84 = tpu.memref_slice %arg3[%add3A, %dma_start3A_82, %dma_start3A_83] : memref<32x78x128xi32, #tpu.memory_space<hbm>> -> memref<1x78x128xi32, #tpu.memory_space<hbm>>
      %dma_start3A_85 = tpu.memref_squeeze %dma_start3A_84 : memref<1x78x128xi32, #tpu.memory_space<hbm>> -> memref<78x128xi32, #tpu.memory_space<hbm>>
      %dma_start3A_86 = arith.constant 0 : i32
      %dma_start3A_87 = arith.constant 0 : i32
      %dma_start3A_88 = tpu.memref_slice %arg3[%add3A, %dma_start3A_86, %dma_start3A_87] : memref<32x78x128xi32, #tpu.memory_space<hbm>> -> memref<1x78x128xi32, #tpu.memory_space<hbm>>
      %dma_start3A_89 = tpu.memref_squeeze %dma_start3A_88 : memref<1x78x128xi32, #tpu.memory_space<hbm>> -> memref<78x128xi32, #tpu.memory_space<hbm>>
      tpu.enqueue_dma source(%dma_start3A_89 : memref<78x128xi32, #tpu.memory_space<hbm>>) target(%arg9 : memref<78x128xi32, #tpu.memory_space<vmem>>) target_semaphore(%run_scoped3A : memref<!tpu.dma_semaphore, #tpu.memory_space<semaphore_mem>>)
      %dma_wait3A_90 = arith.constant 0 : i32
      %dma_wait3A_91 = arith.constant 0 : i32
      %dma_wait3A_92 = tpu.memref_slice %arg3[%add3A, %dma_wait3A_90, %dma_wait3A_91] : memref<32x78x128xi32, #tpu.memory_space<hbm>> -> memref<1x78x128xi32, #tpu.memory_space<hbm>>
      %dma_wait3A_93 = tpu.memref_squeeze %dma_wait3A_92 : memref<1x78x128xi32, #tpu.memory_space<hbm>> -> memref<78x128xi32, #tpu.memory_space<hbm>>
      %dma_wait3A_94 = arith.constant 0 : i32
      %dma_wait3A_95 = arith.constant 0 : i32
      %dma_wait3A_96 = tpu.memref_slice %arg3[%add3A, %dma_wait3A_94, %dma_wait3A_95] : memref<32x78x128xi32, #tpu.memory_space<hbm>> -> memref<1x78x128xi32, #tpu.memory_space<hbm>>
      %dma_wait3A_97 = tpu.memref_squeeze %dma_wait3A_96 : memref<1x78x128xi32, #tpu.memory_space<hbm>> -> memref<78x128xi32, #tpu.memory_space<hbm>>
      tpu.wait_dma2 semaphore(%run_scoped3A : memref<!tpu.dma_semaphore, #tpu.memory_space<semaphore_mem>>) src(%dma_wait3A_97 : memref<78x128xi32, #tpu.memory_space<hbm>>) dst(%arg9 : memref<78x128xi32, #tpu.memory_space<vmem>>)
      tpu.yield
    }) : () -> ()
    "tpu.region"() ({
      %run_scoped3A = tpu.sem_alloc : memref<!tpu.dma_semaphore, #tpu.memory_space<semaphore_mem>>
      %dma_start3A_82 = arith.constant 0 : i32
      %dma_start3A_83 = arith.constant 0 : i32
      %dma_start3A_84 = tpu.memref_slice %arg4[%add3A, %dma_start3A_82, %dma_start3A_83] : memref<32x78x128xi32, #tpu.memory_space<hbm>> -> memref<1x78x128xi32, #tpu.memory_space<hbm>>
      %dma_start3A_85 = tpu.memref_squeeze %dma_start3A_84 : memref<1x78x128xi32, #tpu.memory_space<hbm>> -> memref<78x128xi32, #tpu.memory_space<hbm>>
      %dma_start3A_86 = arith.constant 0 : i32
      %dma_start3A_87 = arith.constant 0 : i32
      %dma_start3A_88 = tpu.memref_slice %arg4[%add3A, %dma_start3A_86, %dma_start3A_87] : memref<32x78x128xi32, #tpu.memory_space<hbm>> -> memref<1x78x128xi32, #tpu.memory_space<hbm>>
      %dma_start3A_89 = tpu.memref_squeeze %dma_start3A_88 : memref<1x78x128xi32, #tpu.memory_space<hbm>> -> memref<78x128xi32, #tpu.memory_space<hbm>>
      tpu.enqueue_dma source(%dma_start3A_89 : memref<78x128xi32, #tpu.memory_space<hbm>>) target(%arg10 : memref<78x128xi32, #tpu.memory_space<vmem>>) target_semaphore(%run_scoped3A : memref<!tpu.dma_semaphore, #tpu.memory_space<semaphore_mem>>)
      %dma_wait3A_90 = arith.constant 0 : i32
      %dma_wait3A_91 = arith.constant 0 : i32
      %dma_wait3A_92 = tpu.memref_slice %arg4[%add3A, %dma_wait3A_90, %dma_wait3A_91] : memref<32x78x128xi32, #tpu.memory_space<hbm>> -> memref<1x78x128xi32, #tpu.memory_space<hbm>>
      %dma_wait3A_93 = tpu.memref_squeeze %dma_wait3A_92 : memref<1x78x128xi32, #tpu.memory_space<hbm>> -> memref<78x128xi32, #tpu.memory_space<hbm>>
      %dma_wait3A_94 = arith.constant 0 : i32
      %dma_wait3A_95 = arith.constant 0 : i32
      %dma_wait3A_96 = tpu.memref_slice %arg4[%add3A, %dma_wait3A_94, %dma_wait3A_95] : memref<32x78x128xi32, #tpu.memory_space<hbm>> -> memref<1x78x128xi32, #tpu.memory_space<hbm>>
      %dma_wait3A_97 = tpu.memref_squeeze %dma_wait3A_96 : memref<1x78x128xi32, #tpu.memory_space<hbm>> -> memref<78x128xi32, #tpu.memory_space<hbm>>
      tpu.wait_dma2 semaphore(%run_scoped3A : memref<!tpu.dma_semaphore, #tpu.memory_space<semaphore_mem>>) src(%dma_wait3A_97 : memref<78x128xi32, #tpu.memory_space<hbm>>) dst(%arg10 : memref<78x128xi32, #tpu.memory_space<vmem>>)
      tpu.yield
    }) : () -> ()
    "tpu.region"() ({
      %run_scoped3A = tpu.sem_alloc : memref<!tpu.dma_semaphore, #tpu.memory_space<semaphore_mem>>
      %dma_start3A_82 = arith.constant 0 : i32
      %dma_start3A_83 = tpu.memref_slice %arg5[%add3A, %dma_start3A_82] : memref<32x16xi32, #tpu.memory_space<hbm>> -> memref<1x16xi32, #tpu.memory_space<hbm>>
      %dma_start3A_84 = tpu.memref_squeeze %dma_start3A_83 : memref<1x16xi32, #tpu.memory_space<hbm>> -> memref<16xi32, #tpu.memory_space<hbm>>
      %dma_start3A_85 = arith.constant 0 : i32
      %dma_start3A_86 = tpu.memref_slice %arg5[%add3A, %dma_start3A_85] : memref<32x16xi32, #tpu.memory_space<hbm>> -> memref<1x16xi32, #tpu.memory_space<hbm>>
      %dma_start3A_87 = tpu.memref_squeeze %dma_start3A_86 : memref<1x16xi32, #tpu.memory_space<hbm>> -> memref<16xi32, #tpu.memory_space<hbm>>
      tpu.enqueue_dma source(%dma_start3A_87 : memref<16xi32, #tpu.memory_space<hbm>>) target(%arg11 : memref<16xi32, #tpu.memory_space<vmem>>) target_semaphore(%run_scoped3A : memref<!tpu.dma_semaphore, #tpu.memory_space<semaphore_mem>>)
      %dma_wait3A_88 = arith.constant 0 : i32
      %dma_wait3A_89 = tpu.memref_slice %arg5[%add3A, %dma_wait3A_88] : memref<32x16xi32, #tpu.memory_space<hbm>> -> memref<1x16xi32, #tpu.memory_space<hbm>>
      %dma_wait3A_90 = tpu.memref_squeeze %dma_wait3A_89 : memref<1x16xi32, #tpu.memory_space<hbm>> -> memref<16xi32, #tpu.memory_space<hbm>>
      %dma_wait3A_91 = arith.constant 0 : i32
      %dma_wait3A_92 = tpu.memref_slice %arg5[%add3A, %dma_wait3A_91] : memref<32x16xi32, #tpu.memory_space<hbm>> -> memref<1x16xi32, #tpu.memory_space<hbm>>
      %dma_wait3A_93 = tpu.memref_squeeze %dma_wait3A_92 : memref<1x16xi32, #tpu.memory_space<hbm>> -> memref<16xi32, #tpu.memory_space<hbm>>
      tpu.wait_dma2 semaphore(%run_scoped3A : memref<!tpu.dma_semaphore, #tpu.memory_space<semaphore_mem>>) src(%dma_wait3A_93 : memref<16xi32, #tpu.memory_space<hbm>>) dst(%arg11 : memref<16xi32, #tpu.memory_space<vmem>>)
      tpu.yield
    }) : () -> ()
    "tpu.region"() ({
      %run_scoped3A = tpu.sem_alloc : memref<!tpu.dma_semaphore, #tpu.memory_space<semaphore_mem>>
      %dma_start3A_82 = arith.constant 0 : i32
      %dma_start3A_83 = tpu.memref_slice %arg6[%add3A, %dma_start3A_82] : memref<32x16xi32, #tpu.memory_space<hbm>> -> memref<1x16xi32, #tpu.memory_space<hbm>>
      %dma_start3A_84 = tpu.memref_squeeze %dma_start3A_83 : memref<1x16xi32, #tpu.memory_space<hbm>> -> memref<16xi32, #tpu.memory_space<hbm>>
      %dma_start3A_85 = arith.constant 0 : i32
      %dma_start3A_86 = tpu.memref_slice %arg6[%add3A, %dma_start3A_85] : memref<32x16xi32, #tpu.memory_space<hbm>> -> memref<1x16xi32, #tpu.memory_space<hbm>>
      %dma_start3A_87 = tpu.memref_squeeze %dma_start3A_86 : memref<1x16xi32, #tpu.memory_space<hbm>> -> memref<16xi32, #tpu.memory_space<hbm>>
      tpu.enqueue_dma source(%dma_start3A_87 : memref<16xi32, #tpu.memory_space<hbm>>) target(%arg12 : memref<16xi32, #tpu.memory_space<vmem>>) target_semaphore(%run_scoped3A : memref<!tpu.dma_semaphore, #tpu.memory_space<semaphore_mem>>)
      %dma_wait3A_88 = arith.constant 0 : i32
      %dma_wait3A_89 = tpu.memref_slice %arg6[%add3A, %dma_wait3A_88] : memref<32x16xi32, #tpu.memory_space<hbm>> -> memref<1x16xi32, #tpu.memory_space<hbm>>
      %dma_wait3A_90 = tpu.memref_squeeze %dma_wait3A_89 : memref<1x16xi32, #tpu.memory_space<hbm>> -> memref<16xi32, #tpu.memory_space<hbm>>
      %dma_wait3A_91 = arith.constant 0 : i32
      %dma_wait3A_92 = tpu.memref_slice %arg6[%add3A, %dma_wait3A_91] : memref<32x16xi32, #tpu.memory_space<hbm>> -> memref<1x16xi32, #tpu.memory_space<hbm>>
      %dma_wait3A_93 = tpu.memref_squeeze %dma_wait3A_92 : memref<1x16xi32, #tpu.memory_space<hbm>> -> memref<16xi32, #tpu.memory_space<hbm>>
      tpu.wait_dma2 semaphore(%run_scoped3A : memref<!tpu.dma_semaphore, #tpu.memory_space<semaphore_mem>>) src(%dma_wait3A_93 : memref<16xi32, #tpu.memory_space<hbm>>) dst(%arg12 : memref<16xi32, #tpu.memory_space<vmem>>)
      tpu.yield
    }) : () -> ()
    %barrier3A = arith.constant 0 : index
    tpu.barrier barrier_id(%barrier3A)
    %dma_start3A = arith.constant 0 : i32
    %dma_start3A_5 = arith.constant 0 : i32
    %dma_start3A_6 = tpu.memref_slice %arg9[%dma_start3A, %dma_start3A_5] : memref<78x128xi32, #tpu.memory_space<vmem>> -> memref<1x128xi32, #tpu.memory_space<vmem>>
    %dma_start3A_7 = tpu.memref_squeeze %dma_start3A_6 : memref<1x128xi32, #tpu.memory_space<vmem>> -> memref<128xi32, #tpu.memory_space<vmem>>
    %dma_start3A_8 = arith.constant 0 : i32
    %dma_start3A_9 = arith.constant 0 : i32
    %dma_start3A_10 = tpu.memref_slice %arg2[%dma_start3A_8, %dma_start3A_9] : memref<10000x64xf32, #tpu.memory_space<hbm>> -> memref<10000x64xf32, #tpu.memory_space<hbm>>
    tpu.enqueue_indirect_dma source(%dma_start3A_10 : memref<10000x64xf32, #tpu.memory_space<hbm>>) target(%arg13 : memref<128x64xf32, #tpu.memory_space<vmem>>) offsets(%dma_start3A_7 : memref<128xi32, #tpu.memory_space<vmem>>) semaphore(%arg21 : memref<!tpu.dma_semaphore, #tpu.memory_space<semaphore_mem>>)
    %dma_start3A_11 = arith.constant 1 : i32
    %dma_start3A_12 = arith.constant 0 : i32
    %dma_start3A_13 = tpu.memref_slice %arg9[%dma_start3A_11, %dma_start3A_12] : memref<78x128xi32, #tpu.memory_space<vmem>> -> memref<1x128xi32, #tpu.memory_space<vmem>>
    %dma_start3A_14 = tpu.memref_squeeze %dma_start3A_13 : memref<1x128xi32, #tpu.memory_space<vmem>> -> memref<128xi32, #tpu.memory_space<vmem>>
    %dma_start3A_15 = arith.constant 0 : i32
    %dma_start3A_16 = arith.constant 0 : i32
    %dma_start3A_17 = tpu.memref_slice %arg2[%dma_start3A_15, %dma_start3A_16] : memref<10000x64xf32, #tpu.memory_space<hbm>> -> memref<10000x64xf32, #tpu.memory_space<hbm>>
    tpu.enqueue_indirect_dma source(%dma_start3A_17 : memref<10000x64xf32, #tpu.memory_space<hbm>>) target(%arg14 : memref<128x64xf32, #tpu.memory_space<vmem>>) offsets(%dma_start3A_14 : memref<128xi32, #tpu.memory_space<vmem>>) semaphore(%arg22 : memref<!tpu.dma_semaphore, #tpu.memory_space<semaphore_mem>>)
    %dma_start3A_18 = arith.constant 2 : i32
    %dma_start3A_19 = arith.constant 0 : i32
    %dma_start3A_20 = tpu.memref_slice %arg9[%dma_start3A_18, %dma_start3A_19] : memref<78x128xi32, #tpu.memory_space<vmem>> -> memref<1x128xi32, #tpu.memory_space<vmem>>
    %dma_start3A_21 = tpu.memref_squeeze %dma_start3A_20 : memref<1x128xi32, #tpu.memory_space<vmem>> -> memref<128xi32, #tpu.memory_space<vmem>>
    %dma_start3A_22 = arith.constant 0 : i32
    %dma_start3A_23 = arith.constant 0 : i32
    %dma_start3A_24 = tpu.memref_slice %arg2[%dma_start3A_22, %dma_start3A_23] : memref<10000x64xf32, #tpu.memory_space<hbm>> -> memref<10000x64xf32, #tpu.memory_space<hbm>>
    tpu.enqueue_indirect_dma source(%dma_start3A_24 : memref<10000x64xf32, #tpu.memory_space<hbm>>) target(%arg15 : memref<128x64xf32, #tpu.memory_space<vmem>>) offsets(%dma_start3A_21 : memref<128xi32, #tpu.memory_space<vmem>>) semaphore(%arg23 : memref<!tpu.dma_semaphore, #tpu.memory_space<semaphore_mem>>)
    %dma_start3A_25 = arith.constant 0 : i32
    %dma_start3A_26 = arith.constant 0 : i32
    %dma_start3A_27 = tpu.memref_slice %arg2[%dma_start3A_25, %dma_start3A_26] : memref<10000x64xf32, #tpu.memory_space<hbm>> -> memref<10000x64xf32, #tpu.memory_space<hbm>>
    tpu.enqueue_indirect_dma source(%dma_start3A_27 : memref<10000x64xf32, #tpu.memory_space<hbm>>) target(%arg19 : memref<16x64xf32, #tpu.memory_space<vmem>>) offsets(%arg11 : memref<16xi32, #tpu.memory_space<vmem>>) semaphore(%arg33 : memref<!tpu.dma_semaphore, #tpu.memory_space<semaphore_mem>>)
    %scan3A = arith.constant 0 : i32
    %scan3A_28 = arith.constant 0 : i32
    %scan3A_29 = arith.constant 78 : i32
    %scan3A_30 = arith.addi %scan3A_28, %scan3A_29 : i32
    %scan3A_31 = arith.constant 1 : i32
    scf.for %scan3A_82 = %scan3A_28 to %scan3A_30 step %scan3A_31  : i32 {
      %rem3A = arith.constant 6 : i32
      %rem3A_83 = arith.remsi %scan3A_82, %rem3A : i32
      %eq3A = arith.constant 0 : i32
      %eq3A_84 = arith.cmpi eq, %rem3A_83, %eq3A : i32
      %convert_element_type3A = arith.extui %eq3A_84 : i1 to i32
      %cond3A = arith.constant 0 : i32
      %cond3A_85 = arith.cmpi ne, %convert_element_type3A, %cond3A : i32
      scf.if %cond3A_85 {
        %dma_wait3A_121 = arith.constant 0 : i32
        %dma_wait3A_122 = tpu.memref_slice %arg9[%scan3A_82, %dma_wait3A_121] : memref<78x128xi32, #tpu.memory_space<vmem>> -> memref<1x128xi32, #tpu.memory_space<vmem>>
        %dma_wait3A_123 = tpu.memref_squeeze %dma_wait3A_122 : memref<1x128xi32, #tpu.memory_space<vmem>> -> memref<128xi32, #tpu.memory_space<vmem>>
        %dma_wait3A_124 = arith.constant 0 : i32
        %dma_wait3A_125 = arith.constant 0 : i32
        %dma_wait3A_126 = tpu.memref_slice %arg2[%dma_wait3A_124, %dma_wait3A_125] : memref<10000x64xf32, #tpu.memory_space<hbm>> -> memref<10000x64xf32, #tpu.memory_space<hbm>>
        tpu.wait_indirect_dma semaphore(%arg21 : memref<!tpu.dma_semaphore, #tpu.memory_space<semaphore_mem>>) src(%dma_wait3A_126 : memref<10000x64xf32, #tpu.memory_space<hbm>>) dst(%arg13 : memref<128x64xf32, #tpu.memory_space<vmem>>)
        %dma_start3A_127 = arith.constant 0 : i32
        %dma_start3A_128 = tpu.memref_slice %arg10[%scan3A_82, %dma_start3A_127] : memref<78x128xi32, #tpu.memory_space<vmem>> -> memref<1x128xi32, #tpu.memory_space<vmem>>
        %dma_start3A_129 = tpu.memref_squeeze %dma_start3A_128 : memref<1x128xi32, #tpu.memory_space<vmem>> -> memref<128xi32, #tpu.memory_space<vmem>>
        %dma_start3A_130 = arith.constant 0 : i32
        %dma_start3A_131 = arith.constant 0 : i32
        %dma_start3A_132 = tpu.memref_slice %arg20[%dma_start3A_130, %dma_start3A_131] : memref<10112x64xf32, #tpu.memory_space<vmem_shared>> -> memref<10112x64xf32, #tpu.memory_space<vmem_shared>>
        tpu.enqueue_indirect_dma source(%arg13 : memref<128x64xf32, #tpu.memory_space<vmem>>) target(%dma_start3A_132 : memref<10112x64xf32, #tpu.memory_space<vmem_shared>>) offsets(%dma_start3A_129 : memref<128xi32, #tpu.memory_space<vmem>>) semaphore(%arg27 : memref<!tpu.dma_semaphore, #tpu.memory_space<semaphore_mem>>) {add = true}
        %ge3A = arith.constant 3 : i32
        %ge3A_133 = arith.cmpi sge, %scan3A_82, %ge3A : i32
        %add3A_134 = arith.constant 3 : i32
        %add3A_135 = arith.addi %scan3A_82, %add3A_134 : i32
        %lt3A = arith.constant 78 : i32
        %lt3A_136 = arith.cmpi slt, %add3A_135, %lt3A : i32
        %and3A = arith.andi %ge3A_133, %lt3A_136 : i1
        %convert_element_type3A_137 = arith.extui %and3A : i1 to i32
        %cond3A_138 = arith.constant 0 : i32
        %cond3A_139 = arith.cmpi ne, %convert_element_type3A_137, %cond3A_138 : i32
        scf.if %cond3A_139 {
          %sub3A = arith.constant 3 : i32
          %sub3A_150 = arith.subi %scan3A_82, %sub3A : i32
          %dma_wait3A_151 = arith.constant 0 : i32
          %dma_wait3A_152 = tpu.memref_slice %arg10[%sub3A_150, %dma_wait3A_151] : memref<78x128xi32, #tpu.memory_space<vmem>> -> memref<1x128xi32, #tpu.memory_space<vmem>>
          %dma_wait3A_153 = tpu.memref_squeeze %dma_wait3A_152 : memref<1x128xi32, #tpu.memory_space<vmem>> -> memref<128xi32, #tpu.memory_space<vmem>>
          %dma_wait3A_154 = arith.constant 0 : i32
          %dma_wait3A_155 = arith.constant 0 : i32
          %dma_wait3A_156 = tpu.memref_slice %arg20[%dma_wait3A_154, %dma_wait3A_155] : memref<10112x64xf32, #tpu.memory_space<vmem_shared>> -> memref<10112x64xf32, #tpu.memory_space<vmem_shared>>
          tpu.wait_indirect_dma semaphore(%arg30 : memref<!tpu.dma_semaphore, #tpu.memory_space<semaphore_mem>>) src(%arg16 : memref<128x64xf32, #tpu.memory_space<vmem>>) dst(%dma_wait3A_156 : memref<10112x64xf32, #tpu.memory_space<vmem_shared>>)
          %add3A_157 = arith.constant 3 : i32
          %add3A_158 = arith.addi %scan3A_82, %add3A_157 : i32
          %dma_start3A_159 = arith.constant 0 : i32
          %dma_start3A_160 = tpu.memref_slice %arg9[%add3A_158, %dma_start3A_159] : memref<78x128xi32, #tpu.memory_space<vmem>> -> memref<1x128xi32, #tpu.memory_space<vmem>>
          %dma_start3A_161 = tpu.memref_squeeze %dma_start3A_160 : memref<1x128xi32, #tpu.memory_space<vmem>> -> memref<128xi32, #tpu.memory_space<vmem>>
          %dma_start3A_162 = arith.constant 0 : i32
          %dma_start3A_163 = arith.constant 0 : i32
          %dma_start3A_164 = tpu.memref_slice %arg2[%dma_start3A_162, %dma_start3A_163] : memref<10000x64xf32, #tpu.memory_space<hbm>> -> memref<10000x64xf32, #tpu.memory_space<hbm>>
          tpu.enqueue_indirect_dma source(%dma_start3A_164 : memref<10000x64xf32, #tpu.memory_space<hbm>>) target(%arg16 : memref<128x64xf32, #tpu.memory_space<vmem>>) offsets(%dma_start3A_161 : memref<128xi32, #tpu.memory_space<vmem>>) semaphore(%arg24 : memref<!tpu.dma_semaphore, #tpu.memory_space<semaphore_mem>>)
        } else {
        }
        %lt3A_140 = arith.constant 3 : i32
        %lt3A_141 = arith.cmpi slt, %scan3A_82, %lt3A_140 : i32
        %add3A_142 = arith.constant 3 : i32
        %add3A_143 = arith.addi %scan3A_82, %add3A_142 : i32
        %lt3A_144 = arith.constant 78 : i32
        %lt3A_145 = arith.cmpi slt, %add3A_143, %lt3A_144 : i32
        %and3A_146 = arith.andi %lt3A_141, %lt3A_145 : i1
        %convert_element_type3A_147 = arith.extui %and3A_146 : i1 to i32
        %cond3A_148 = arith.constant 0 : i32
        %cond3A_149 = arith.cmpi ne, %convert_element_type3A_147, %cond3A_148 : i32
        scf.if %cond3A_149 {
          %add3A_150 = arith.constant 3 : i32
          %add3A_151 = arith.addi %scan3A_82, %add3A_150 : i32
          %dma_start3A_152 = arith.constant 0 : i32
          %dma_start3A_153 = tpu.memref_slice %arg9[%add3A_151, %dma_start3A_152] : memref<78x128xi32, #tpu.memory_space<vmem>> -> memref<1x128xi32, #tpu.memory_space<vmem>>
          %dma_start3A_154 = tpu.memref_squeeze %dma_start3A_153 : memref<1x128xi32, #tpu.memory_space<vmem>> -> memref<128xi32, #tpu.memory_space<vmem>>
          %dma_start3A_155 = arith.constant 0 : i32
          %dma_start3A_156 = arith.constant 0 : i32
          %dma_start3A_157 = tpu.memref_slice %arg2[%dma_start3A_155, %dma_start3A_156] : memref<10000x64xf32, #tpu.memory_space<hbm>> -> memref<10000x64xf32, #tpu.memory_space<hbm>>
          tpu.enqueue_indirect_dma source(%dma_start3A_157 : memref<10000x64xf32, #tpu.memory_space<hbm>>) target(%arg16 : memref<128x64xf32, #tpu.memory_space<vmem>>) offsets(%dma_start3A_154 : memref<128xi32, #tpu.memory_space<vmem>>) semaphore(%arg24 : memref<!tpu.dma_semaphore, #tpu.memory_space<semaphore_mem>>)
        } else {
        }
      } else {
      }
      %rem3A_86 = arith.constant 6 : i32
      %rem3A_87 = arith.remsi %scan3A_82, %rem3A_86 : i32
      %eq3A_88 = arith.constant 1 : i32
      %eq3A_89 = arith.cmpi eq, %rem3A_87, %eq3A_88 : i32
      %convert_element_type3A_90 = arith.extui %eq3A_89 : i1 to i32
      %cond3A_91 = arith.constant 0 : i32
      %cond3A_92 = arith.cmpi ne, %convert_element_type3A_90, %cond3A_91 : i32
      scf.if %cond3A_92 {
        %dma_wait3A_121 = arith.constant 0 : i32
        %dma_wait3A_122 = tpu.memref_slice %arg9[%scan3A_82, %dma_wait3A_121] : memref<78x128xi32, #tpu.memory_space<vmem>> -> memref<1x128xi32, #tpu.memory_space<vmem>>
        %dma_wait3A_123 = tpu.memref_squeeze %dma_wait3A_122 : memref<1x128xi32, #tpu.memory_space<vmem>> -> memref<128xi32, #tpu.memory_space<vmem>>
        %dma_wait3A_124 = arith.constant 0 : i32
        %dma_wait3A_125 = arith.constant 0 : i32
        %dma_wait3A_126 = tpu.memref_slice %arg2[%dma_wait3A_124, %dma_wait3A_125] : memref<10000x64xf32, #tpu.memory_space<hbm>> -> memref<10000x64xf32, #tpu.memory_space<hbm>>
        tpu.wait_indirect_dma semaphore(%arg22 : memref<!tpu.dma_semaphore, #tpu.memory_space<semaphore_mem>>) src(%dma_wait3A_126 : memref<10000x64xf32, #tpu.memory_space<hbm>>) dst(%arg14 : memref<128x64xf32, #tpu.memory_space<vmem>>)
        %dma_start3A_127 = arith.constant 0 : i32
        %dma_start3A_128 = tpu.memref_slice %arg10[%scan3A_82, %dma_start3A_127] : memref<78x128xi32, #tpu.memory_space<vmem>> -> memref<1x128xi32, #tpu.memory_space<vmem>>
        %dma_start3A_129 = tpu.memref_squeeze %dma_start3A_128 : memref<1x128xi32, #tpu.memory_space<vmem>> -> memref<128xi32, #tpu.memory_space<vmem>>
        %dma_start3A_130 = arith.constant 0 : i32
        %dma_start3A_131 = arith.constant 0 : i32
        %dma_start3A_132 = tpu.memref_slice %arg20[%dma_start3A_130, %dma_start3A_131] : memref<10112x64xf32, #tpu.memory_space<vmem_shared>> -> memref<10112x64xf32, #tpu.memory_space<vmem_shared>>
        tpu.enqueue_indirect_dma source(%arg14 : memref<128x64xf32, #tpu.memory_space<vmem>>) target(%dma_start3A_132 : memref<10112x64xf32, #tpu.memory_space<vmem_shared>>) offsets(%dma_start3A_129 : memref<128xi32, #tpu.memory_space<vmem>>) semaphore(%arg28 : memref<!tpu.dma_semaphore, #tpu.memory_space<semaphore_mem>>) {add = true}
        %ge3A = arith.constant 3 : i32
        %ge3A_133 = arith.cmpi sge, %scan3A_82, %ge3A : i32
        %add3A_134 = arith.constant 3 : i32
        %add3A_135 = arith.addi %scan3A_82, %add3A_134 : i32
        %lt3A = arith.constant 78 : i32
        %lt3A_136 = arith.cmpi slt, %add3A_135, %lt3A : i32
        %and3A = arith.andi %ge3A_133, %lt3A_136 : i1
        %convert_element_type3A_137 = arith.extui %and3A : i1 to i32
        %cond3A_138 = arith.constant 0 : i32
        %cond3A_139 = arith.cmpi ne, %convert_element_type3A_137, %cond3A_138 : i32
        scf.if %cond3A_139 {
          %sub3A = arith.constant 3 : i32
          %sub3A_150 = arith.subi %scan3A_82, %sub3A : i32
          %dma_wait3A_151 = arith.constant 0 : i32
          %dma_wait3A_152 = tpu.memref_slice %arg10[%sub3A_150, %dma_wait3A_151] : memref<78x128xi32, #tpu.memory_space<vmem>> -> memref<1x128xi32, #tpu.memory_space<vmem>>
          %dma_wait3A_153 = tpu.memref_squeeze %dma_wait3A_152 : memref<1x128xi32, #tpu.memory_space<vmem>> -> memref<128xi32, #tpu.memory_space<vmem>>
          %dma_wait3A_154 = arith.constant 0 : i32
          %dma_wait3A_155 = arith.constant 0 : i32
          %dma_wait3A_156 = tpu.memref_slice %arg20[%dma_wait3A_154, %dma_wait3A_155] : memref<10112x64xf32, #tpu.memory_space<vmem_shared>> -> memref<10112x64xf32, #tpu.memory_space<vmem_shared>>
          tpu.wait_indirect_dma semaphore(%arg31 : memref<!tpu.dma_semaphore, #tpu.memory_space<semaphore_mem>>) src(%arg17 : memref<128x64xf32, #tpu.memory_space<vmem>>) dst(%dma_wait3A_156 : memref<10112x64xf32, #tpu.memory_space<vmem_shared>>)
          %add3A_157 = arith.constant 3 : i32
          %add3A_158 = arith.addi %scan3A_82, %add3A_157 : i32
          %dma_start3A_159 = arith.constant 0 : i32
          %dma_start3A_160 = tpu.memref_slice %arg9[%add3A_158, %dma_start3A_159] : memref<78x128xi32, #tpu.memory_space<vmem>> -> memref<1x128xi32, #tpu.memory_space<vmem>>
          %dma_start3A_161 = tpu.memref_squeeze %dma_start3A_160 : memref<1x128xi32, #tpu.memory_space<vmem>> -> memref<128xi32, #tpu.memory_space<vmem>>
          %dma_start3A_162 = arith.constant 0 : i32
          %dma_start3A_163 = arith.constant 0 : i32
          %dma_start3A_164 = tpu.memref_slice %arg2[%dma_start3A_162, %dma_start3A_163] : memref<10000x64xf32, #tpu.memory_space<hbm>> -> memref<10000x64xf32, #tpu.memory_space<hbm>>
          tpu.enqueue_indirect_dma source(%dma_start3A_164 : memref<10000x64xf32, #tpu.memory_space<hbm>>) target(%arg17 : memref<128x64xf32, #tpu.memory_space<vmem>>) offsets(%dma_start3A_161 : memref<128xi32, #tpu.memory_space<vmem>>) semaphore(%arg25 : memref<!tpu.dma_semaphore, #tpu.memory_space<semaphore_mem>>)
        } else {
        }
        %lt3A_140 = arith.constant 3 : i32
        %lt3A_141 = arith.cmpi slt, %scan3A_82, %lt3A_140 : i32
        %add3A_142 = arith.constant 3 : i32
        %add3A_143 = arith.addi %scan3A_82, %add3A_142 : i32
        %lt3A_144 = arith.constant 78 : i32
        %lt3A_145 = arith.cmpi slt, %add3A_143, %lt3A_144 : i32
        %and3A_146 = arith.andi %lt3A_141, %lt3A_145 : i1
        %convert_element_type3A_147 = arith.extui %and3A_146 : i1 to i32
        %cond3A_148 = arith.constant 0 : i32
        %cond3A_149 = arith.cmpi ne, %convert_element_type3A_147, %cond3A_148 : i32
        scf.if %cond3A_149 {
          %add3A_150 = arith.constant 3 : i32
          %add3A_151 = arith.addi %scan3A_82, %add3A_150 : i32
          %dma_start3A_152 = arith.constant 0 : i32
          %dma_start3A_153 = tpu.memref_slice %arg9[%add3A_151, %dma_start3A_152] : memref<78x128xi32, #tpu.memory_space<vmem>> -> memref<1x128xi32, #tpu.memory_space<vmem>>
          %dma_start3A_154 = tpu.memref_squeeze %dma_start3A_153 : memref<1x128xi32, #tpu.memory_space<vmem>> -> memref<128xi32, #tpu.memory_space<vmem>>
          %dma_start3A_155 = arith.constant 0 : i32
          %dma_start3A_156 = arith.constant 0 : i32
          %dma_start3A_157 = tpu.memref_slice %arg2[%dma_start3A_155, %dma_start3A_156] : memref<10000x64xf32, #tpu.memory_space<hbm>> -> memref<10000x64xf32, #tpu.memory_space<hbm>>
          tpu.enqueue_indirect_dma source(%dma_start3A_157 : memref<10000x64xf32, #tpu.memory_space<hbm>>) target(%arg17 : memref<128x64xf32, #tpu.memory_space<vmem>>) offsets(%dma_start3A_154 : memref<128xi32, #tpu.memory_space<vmem>>) semaphore(%arg25 : memref<!tpu.dma_semaphore, #tpu.memory_space<semaphore_mem>>)
        } else {
        }
      } else {
      }
      %rem3A_93 = arith.constant 6 : i32
      %rem3A_94 = arith.remsi %scan3A_82, %rem3A_93 : i32
      %eq3A_95 = arith.constant 2 : i32
      %eq3A_96 = arith.cmpi eq, %rem3A_94, %eq3A_95 : i32
      %convert_element_type3A_97 = arith.extui %eq3A_96 : i1 to i32
      %cond3A_98 = arith.constant 0 : i32
      %cond3A_99 = arith.cmpi ne, %convert_element_type3A_97, %cond3A_98 : i32
      scf.if %cond3A_99 {
        %dma_wait3A_121 = arith.constant 0 : i32
        %dma_wait3A_122 = tpu.memref_slice %arg9[%scan3A_82, %dma_wait3A_121] : memref<78x128xi32, #tpu.memory_space<vmem>> -> memref<1x128xi32, #tpu.memory_space<vmem>>
        %dma_wait3A_123 = tpu.memref_squeeze %dma_wait3A_122 : memref<1x128xi32, #tpu.memory_space<vmem>> -> memref<128xi32, #tpu.memory_space<vmem>>
        %dma_wait3A_124 = arith.constant 0 : i32
        %dma_wait3A_125 = arith.constant 0 : i32
        %dma_wait3A_126 = tpu.memref_slice %arg2[%dma_wait3A_124, %dma_wait3A_125] : memref<10000x64xf32, #tpu.memory_space<hbm>> -> memref<10000x64xf32, #tpu.memory_space<hbm>>
        tpu.wait_indirect_dma semaphore(%arg23 : memref<!tpu.dma_semaphore, #tpu.memory_space<semaphore_mem>>) src(%dma_wait3A_126 : memref<10000x64xf32, #tpu.memory_space<hbm>>) dst(%arg15 : memref<128x64xf32, #tpu.memory_space<vmem>>)
        %dma_start3A_127 = arith.constant 0 : i32
        %dma_start3A_128 = tpu.memref_slice %arg10[%scan3A_82, %dma_start3A_127] : memref<78x128xi32, #tpu.memory_space<vmem>> -> memref<1x128xi32, #tpu.memory_space<vmem>>
        %dma_start3A_129 = tpu.memref_squeeze %dma_start3A_128 : memref<1x128xi32, #tpu.memory_space<vmem>> -> memref<128xi32, #tpu.memory_space<vmem>>
        %dma_start3A_130 = arith.constant 0 : i32
        %dma_start3A_131 = arith.constant 0 : i32
        %dma_start3A_132 = tpu.memref_slice %arg20[%dma_start3A_130, %dma_start3A_131] : memref<10112x64xf32, #tpu.memory_space<vmem_shared>> -> memref<10112x64xf32, #tpu.memory_space<vmem_shared>>
        tpu.enqueue_indirect_dma source(%arg15 : memref<128x64xf32, #tpu.memory_space<vmem>>) target(%dma_start3A_132 : memref<10112x64xf32, #tpu.memory_space<vmem_shared>>) offsets(%dma_start3A_129 : memref<128xi32, #tpu.memory_space<vmem>>) semaphore(%arg29 : memref<!tpu.dma_semaphore, #tpu.memory_space<semaphore_mem>>) {add = true}
        %ge3A = arith.constant 3 : i32
        %ge3A_133 = arith.cmpi sge, %scan3A_82, %ge3A : i32
        %add3A_134 = arith.constant 3 : i32
        %add3A_135 = arith.addi %scan3A_82, %add3A_134 : i32
        %lt3A = arith.constant 78 : i32
        %lt3A_136 = arith.cmpi slt, %add3A_135, %lt3A : i32
        %and3A = arith.andi %ge3A_133, %lt3A_136 : i1
        %convert_element_type3A_137 = arith.extui %and3A : i1 to i32
        %cond3A_138 = arith.constant 0 : i32
        %cond3A_139 = arith.cmpi ne, %convert_element_type3A_137, %cond3A_138 : i32
        scf.if %cond3A_139 {
          %sub3A = arith.constant 3 : i32
          %sub3A_150 = arith.subi %scan3A_82, %sub3A : i32
          %dma_wait3A_151 = arith.constant 0 : i32
          %dma_wait3A_152 = tpu.memref_slice %arg10[%sub3A_150, %dma_wait3A_151] : memref<78x128xi32, #tpu.memory_space<vmem>> -> memref<1x128xi32, #tpu.memory_space<vmem>>
          %dma_wait3A_153 = tpu.memref_squeeze %dma_wait3A_152 : memref<1x128xi32, #tpu.memory_space<vmem>> -> memref<128xi32, #tpu.memory_space<vmem>>
          %dma_wait3A_154 = arith.constant 0 : i32
          %dma_wait3A_155 = arith.constant 0 : i32
          %dma_wait3A_156 = tpu.memref_slice %arg20[%dma_wait3A_154, %dma_wait3A_155] : memref<10112x64xf32, #tpu.memory_space<vmem_shared>> -> memref<10112x64xf32, #tpu.memory_space<vmem_shared>>
          tpu.wait_indirect_dma semaphore(%arg32 : memref<!tpu.dma_semaphore, #tpu.memory_space<semaphore_mem>>) src(%arg18 : memref<128x64xf32, #tpu.memory_space<vmem>>) dst(%dma_wait3A_156 : memref<10112x64xf32, #tpu.memory_space<vmem_shared>>)
          %add3A_157 = arith.constant 3 : i32
          %add3A_158 = arith.addi %scan3A_82, %add3A_157 : i32
          %dma_start3A_159 = arith.constant 0 : i32
          %dma_start3A_160 = tpu.memref_slice %arg9[%add3A_158, %dma_start3A_159] : memref<78x128xi32, #tpu.memory_space<vmem>> -> memref<1x128xi32, #tpu.memory_space<vmem>>
          %dma_start3A_161 = tpu.memref_squeeze %dma_start3A_160 : memref<1x128xi32, #tpu.memory_space<vmem>> -> memref<128xi32, #tpu.memory_space<vmem>>
          %dma_start3A_162 = arith.constant 0 : i32
          %dma_start3A_163 = arith.constant 0 : i32
          %dma_start3A_164 = tpu.memref_slice %arg2[%dma_start3A_162, %dma_start3A_163] : memref<10000x64xf32, #tpu.memory_space<hbm>> -> memref<10000x64xf32, #tpu.memory_space<hbm>>
          tpu.enqueue_indirect_dma source(%dma_start3A_164 : memref<10000x64xf32, #tpu.memory_space<hbm>>) target(%arg18 : memref<128x64xf32, #tpu.memory_space<vmem>>) offsets(%dma_start3A_161 : memref<128xi32, #tpu.memory_space<vmem>>) semaphore(%arg26 : memref<!tpu.dma_semaphore, #tpu.memory_space<semaphore_mem>>)
        } else {
        }
        %lt3A_140 = arith.constant 3 : i32
        %lt3A_141 = arith.cmpi slt, %scan3A_82, %lt3A_140 : i32
        %add3A_142 = arith.constant 3 : i32
        %add3A_143 = arith.addi %scan3A_82, %add3A_142 : i32
        %lt3A_144 = arith.constant 78 : i32
        %lt3A_145 = arith.cmpi slt, %add3A_143, %lt3A_144 : i32
        %and3A_146 = arith.andi %lt3A_141, %lt3A_145 : i1
        %convert_element_type3A_147 = arith.extui %and3A_146 : i1 to i32
        %cond3A_148 = arith.constant 0 : i32
        %cond3A_149 = arith.cmpi ne, %convert_element_type3A_147, %cond3A_148 : i32
        scf.if %cond3A_149 {
          %add3A_150 = arith.constant 3 : i32
          %add3A_151 = arith.addi %scan3A_82, %add3A_150 : i32
          %dma_start3A_152 = arith.constant 0 : i32
          %dma_start3A_153 = tpu.memref_slice %arg9[%add3A_151, %dma_start3A_152] : memref<78x128xi32, #tpu.memory_space<vmem>> -> memref<1x128xi32, #tpu.memory_space<vmem>>
          %dma_start3A_154 = tpu.memref_squeeze %dma_start3A_153 : memref<1x128xi32, #tpu.memory_space<vmem>> -> memref<128xi32, #tpu.memory_space<vmem>>
          %dma_start3A_155 = arith.constant 0 : i32
          %dma_start3A_156 = arith.constant 0 : i32
          %dma_start3A_157 = tpu.memref_slice %arg2[%dma_start3A_155, %dma_start3A_156] : memref<10000x64xf32, #tpu.memory_space<hbm>> -> memref<10000x64xf32, #tpu.memory_space<hbm>>
          tpu.enqueue_indirect_dma source(%dma_start3A_157 : memref<10000x64xf32, #tpu.memory_space<hbm>>) target(%arg18 : memref<128x64xf32, #tpu.memory_space<vmem>>) offsets(%dma_start3A_154 : memref<128xi32, #tpu.memory_space<vmem>>) semaphore(%arg26 : memref<!tpu.dma_semaphore, #tpu.memory_space<semaphore_mem>>)
        } else {
        }
      } else {
      }
      %rem3A_100 = arith.constant 6 : i32
      %rem3A_101 = arith.remsi %scan3A_82, %rem3A_100 : i32
      %eq3A_102 = arith.constant 3 : i32
      %eq3A_103 = arith.cmpi eq, %rem3A_101, %eq3A_102 : i32
      %convert_element_type3A_104 = arith.extui %eq3A_103 : i1 to i32
      %cond3A_105 = arith.constant 0 : i32
      %cond3A_106 = arith.cmpi ne, %convert_element_type3A_104, %cond3A_105 : i32
      scf.if %cond3A_106 {
        %dma_wait3A_121 = arith.constant 0 : i32
        %dma_wait3A_122 = tpu.memref_slice %arg9[%scan3A_82, %dma_wait3A_121] : memref<78x128xi32, #tpu.memory_space<vmem>> -> memref<1x128xi32, #tpu.memory_space<vmem>>
        %dma_wait3A_123 = tpu.memref_squeeze %dma_wait3A_122 : memref<1x128xi32, #tpu.memory_space<vmem>> -> memref<128xi32, #tpu.memory_space<vmem>>
        %dma_wait3A_124 = arith.constant 0 : i32
        %dma_wait3A_125 = arith.constant 0 : i32
        %dma_wait3A_126 = tpu.memref_slice %arg2[%dma_wait3A_124, %dma_wait3A_125] : memref<10000x64xf32, #tpu.memory_space<hbm>> -> memref<10000x64xf32, #tpu.memory_space<hbm>>
        tpu.wait_indirect_dma semaphore(%arg24 : memref<!tpu.dma_semaphore, #tpu.memory_space<semaphore_mem>>) src(%dma_wait3A_126 : memref<10000x64xf32, #tpu.memory_space<hbm>>) dst(%arg16 : memref<128x64xf32, #tpu.memory_space<vmem>>)
        %dma_start3A_127 = arith.constant 0 : i32
        %dma_start3A_128 = tpu.memref_slice %arg10[%scan3A_82, %dma_start3A_127] : memref<78x128xi32, #tpu.memory_space<vmem>> -> memref<1x128xi32, #tpu.memory_space<vmem>>
        %dma_start3A_129 = tpu.memref_squeeze %dma_start3A_128 : memref<1x128xi32, #tpu.memory_space<vmem>> -> memref<128xi32, #tpu.memory_space<vmem>>
        %dma_start3A_130 = arith.constant 0 : i32
        %dma_start3A_131 = arith.constant 0 : i32
        %dma_start3A_132 = tpu.memref_slice %arg20[%dma_start3A_130, %dma_start3A_131] : memref<10112x64xf32, #tpu.memory_space<vmem_shared>> -> memref<10112x64xf32, #tpu.memory_space<vmem_shared>>
        tpu.enqueue_indirect_dma source(%arg16 : memref<128x64xf32, #tpu.memory_space<vmem>>) target(%dma_start3A_132 : memref<10112x64xf32, #tpu.memory_space<vmem_shared>>) offsets(%dma_start3A_129 : memref<128xi32, #tpu.memory_space<vmem>>) semaphore(%arg30 : memref<!tpu.dma_semaphore, #tpu.memory_space<semaphore_mem>>) {add = true}
        %ge3A = arith.constant 3 : i32
        %ge3A_133 = arith.cmpi sge, %scan3A_82, %ge3A : i32
        %add3A_134 = arith.constant 3 : i32
        %add3A_135 = arith.addi %scan3A_82, %add3A_134 : i32
        %lt3A = arith.constant 78 : i32
        %lt3A_136 = arith.cmpi slt, %add3A_135, %lt3A : i32
        %and3A = arith.andi %ge3A_133, %lt3A_136 : i1
        %convert_element_type3A_137 = arith.extui %and3A : i1 to i32
        %cond3A_138 = arith.constant 0 : i32
        %cond3A_139 = arith.cmpi ne, %convert_element_type3A_137, %cond3A_138 : i32
        scf.if %cond3A_139 {
          %sub3A = arith.constant 3 : i32
          %sub3A_150 = arith.subi %scan3A_82, %sub3A : i32
          %dma_wait3A_151 = arith.constant 0 : i32
          %dma_wait3A_152 = tpu.memref_slice %arg10[%sub3A_150, %dma_wait3A_151] : memref<78x128xi32, #tpu.memory_space<vmem>> -> memref<1x128xi32, #tpu.memory_space<vmem>>
          %dma_wait3A_153 = tpu.memref_squeeze %dma_wait3A_152 : memref<1x128xi32, #tpu.memory_space<vmem>> -> memref<128xi32, #tpu.memory_space<vmem>>
          %dma_wait3A_154 = arith.constant 0 : i32
          %dma_wait3A_155 = arith.constant 0 : i32
          %dma_wait3A_156 = tpu.memref_slice %arg20[%dma_wait3A_154, %dma_wait3A_155] : memref<10112x64xf32, #tpu.memory_space<vmem_shared>> -> memref<10112x64xf32, #tpu.memory_space<vmem_shared>>
          tpu.wait_indirect_dma semaphore(%arg27 : memref<!tpu.dma_semaphore, #tpu.memory_space<semaphore_mem>>) src(%arg13 : memref<128x64xf32, #tpu.memory_space<vmem>>) dst(%dma_wait3A_156 : memref<10112x64xf32, #tpu.memory_space<vmem_shared>>)
          %add3A_157 = arith.constant 3 : i32
          %add3A_158 = arith.addi %scan3A_82, %add3A_157 : i32
          %dma_start3A_159 = arith.constant 0 : i32
          %dma_start3A_160 = tpu.memref_slice %arg9[%add3A_158, %dma_start3A_159] : memref<78x128xi32, #tpu.memory_space<vmem>> -> memref<1x128xi32, #tpu.memory_space<vmem>>
          %dma_start3A_161 = tpu.memref_squeeze %dma_start3A_160 : memref<1x128xi32, #tpu.memory_space<vmem>> -> memref<128xi32, #tpu.memory_space<vmem>>
          %dma_start3A_162 = arith.constant 0 : i32
          %dma_start3A_163 = arith.constant 0 : i32
          %dma_start3A_164 = tpu.memref_slice %arg2[%dma_start3A_162, %dma_start3A_163] : memref<10000x64xf32, #tpu.memory_space<hbm>> -> memref<10000x64xf32, #tpu.memory_space<hbm>>
          tpu.enqueue_indirect_dma source(%dma_start3A_164 : memref<10000x64xf32, #tpu.memory_space<hbm>>) target(%arg13 : memref<128x64xf32, #tpu.memory_space<vmem>>) offsets(%dma_start3A_161 : memref<128xi32, #tpu.memory_space<vmem>>) semaphore(%arg21 : memref<!tpu.dma_semaphore, #tpu.memory_space<semaphore_mem>>)
        } else {
        }
        %lt3A_140 = arith.constant 3 : i32
        %lt3A_141 = arith.cmpi slt, %scan3A_82, %lt3A_140 : i32
        %add3A_142 = arith.constant 3 : i32
        %add3A_143 = arith.addi %scan3A_82, %add3A_142 : i32
        %lt3A_144 = arith.constant 78 : i32
        %lt3A_145 = arith.cmpi slt, %add3A_143, %lt3A_144 : i32
        %and3A_146 = arith.andi %lt3A_141, %lt3A_145 : i1
        %convert_element_type3A_147 = arith.extui %and3A_146 : i1 to i32
        %cond3A_148 = arith.constant 0 : i32
        %cond3A_149 = arith.cmpi ne, %convert_element_type3A_147, %cond3A_148 : i32
        scf.if %cond3A_149 {
          %add3A_150 = arith.constant 3 : i32
          %add3A_151 = arith.addi %scan3A_82, %add3A_150 : i32
          %dma_start3A_152 = arith.constant 0 : i32
          %dma_start3A_153 = tpu.memref_slice %arg9[%add3A_151, %dma_start3A_152] : memref<78x128xi32, #tpu.memory_space<vmem>> -> memref<1x128xi32, #tpu.memory_space<vmem>>
          %dma_start3A_154 = tpu.memref_squeeze %dma_start3A_153 : memref<1x128xi32, #tpu.memory_space<vmem>> -> memref<128xi32, #tpu.memory_space<vmem>>
          %dma_start3A_155 = arith.constant 0 : i32
          %dma_start3A_156 = arith.constant 0 : i32
          %dma_start3A_157 = tpu.memref_slice %arg2[%dma_start3A_155, %dma_start3A_156] : memref<10000x64xf32, #tpu.memory_space<hbm>> -> memref<10000x64xf32, #tpu.memory_space<hbm>>
          tpu.enqueue_indirect_dma source(%dma_start3A_157 : memref<10000x64xf32, #tpu.memory_space<hbm>>) target(%arg13 : memref<128x64xf32, #tpu.memory_space<vmem>>) offsets(%dma_start3A_154 : memref<128xi32, #tpu.memory_space<vmem>>) semaphore(%arg21 : memref<!tpu.dma_semaphore, #tpu.memory_space<semaphore_mem>>)
        } else {
        }
      } else {
      }
      %rem3A_107 = arith.constant 6 : i32
      %rem3A_108 = arith.remsi %scan3A_82, %rem3A_107 : i32
      %eq3A_109 = arith.constant 4 : i32
      %eq3A_110 = arith.cmpi eq, %rem3A_108, %eq3A_109 : i32
      %convert_element_type3A_111 = arith.extui %eq3A_110 : i1 to i32
      %cond3A_112 = arith.constant 0 : i32
      %cond3A_113 = arith.cmpi ne, %convert_element_type3A_111, %cond3A_112 : i32
      scf.if %cond3A_113 {
        %dma_wait3A_121 = arith.constant 0 : i32
        %dma_wait3A_122 = tpu.memref_slice %arg9[%scan3A_82, %dma_wait3A_121] : memref<78x128xi32, #tpu.memory_space<vmem>> -> memref<1x128xi32, #tpu.memory_space<vmem>>
        %dma_wait3A_123 = tpu.memref_squeeze %dma_wait3A_122 : memref<1x128xi32, #tpu.memory_space<vmem>> -> memref<128xi32, #tpu.memory_space<vmem>>
        %dma_wait3A_124 = arith.constant 0 : i32
        %dma_wait3A_125 = arith.constant 0 : i32
        %dma_wait3A_126 = tpu.memref_slice %arg2[%dma_wait3A_124, %dma_wait3A_125] : memref<10000x64xf32, #tpu.memory_space<hbm>> -> memref<10000x64xf32, #tpu.memory_space<hbm>>
        tpu.wait_indirect_dma semaphore(%arg25 : memref<!tpu.dma_semaphore, #tpu.memory_space<semaphore_mem>>) src(%dma_wait3A_126 : memref<10000x64xf32, #tpu.memory_space<hbm>>) dst(%arg17 : memref<128x64xf32, #tpu.memory_space<vmem>>)
        %dma_start3A_127 = arith.constant 0 : i32
        %dma_start3A_128 = tpu.memref_slice %arg10[%scan3A_82, %dma_start3A_127] : memref<78x128xi32, #tpu.memory_space<vmem>> -> memref<1x128xi32, #tpu.memory_space<vmem>>
        %dma_start3A_129 = tpu.memref_squeeze %dma_start3A_128 : memref<1x128xi32, #tpu.memory_space<vmem>> -> memref<128xi32, #tpu.memory_space<vmem>>
        %dma_start3A_130 = arith.constant 0 : i32
        %dma_start3A_131 = arith.constant 0 : i32
        %dma_start3A_132 = tpu.memref_slice %arg20[%dma_start3A_130, %dma_start3A_131] : memref<10112x64xf32, #tpu.memory_space<vmem_shared>> -> memref<10112x64xf32, #tpu.memory_space<vmem_shared>>
        tpu.enqueue_indirect_dma source(%arg17 : memref<128x64xf32, #tpu.memory_space<vmem>>) target(%dma_start3A_132 : memref<10112x64xf32, #tpu.memory_space<vmem_shared>>) offsets(%dma_start3A_129 : memref<128xi32, #tpu.memory_space<vmem>>) semaphore(%arg31 : memref<!tpu.dma_semaphore, #tpu.memory_space<semaphore_mem>>) {add = true}
        %ge3A = arith.constant 3 : i32
        %ge3A_133 = arith.cmpi sge, %scan3A_82, %ge3A : i32
        %add3A_134 = arith.constant 3 : i32
        %add3A_135 = arith.addi %scan3A_82, %add3A_134 : i32
        %lt3A = arith.constant 78 : i32
        %lt3A_136 = arith.cmpi slt, %add3A_135, %lt3A : i32
        %and3A = arith.andi %ge3A_133, %lt3A_136 : i1
        %convert_element_type3A_137 = arith.extui %and3A : i1 to i32
        %cond3A_138 = arith.constant 0 : i32
        %cond3A_139 = arith.cmpi ne, %convert_element_type3A_137, %cond3A_138 : i32
        scf.if %cond3A_139 {
          %sub3A = arith.constant 3 : i32
          %sub3A_150 = arith.subi %scan3A_82, %sub3A : i32
          %dma_wait3A_151 = arith.constant 0 : i32
          %dma_wait3A_152 = tpu.memref_slice %arg10[%sub3A_150, %dma_wait3A_151] : memref<78x128xi32, #tpu.memory_space<vmem>> -> memref<1x128xi32, #tpu.memory_space<vmem>>
          %dma_wait3A_153 = tpu.memref_squeeze %dma_wait3A_152 : memref<1x128xi32, #tpu.memory_space<vmem>> -> memref<128xi32, #tpu.memory_space<vmem>>
          %dma_wait3A_154 = arith.constant 0 : i32
          %dma_wait3A_155 = arith.constant 0 : i32
          %dma_wait3A_156 = tpu.memref_slice %arg20[%dma_wait3A_154, %dma_wait3A_155] : memref<10112x64xf32, #tpu.memory_space<vmem_shared>> -> memref<10112x64xf32, #tpu.memory_space<vmem_shared>>
          tpu.wait_indirect_dma semaphore(%arg28 : memref<!tpu.dma_semaphore, #tpu.memory_space<semaphore_mem>>) src(%arg14 : memref<128x64xf32, #tpu.memory_space<vmem>>) dst(%dma_wait3A_156 : memref<10112x64xf32, #tpu.memory_space<vmem_shared>>)
          %add3A_157 = arith.constant 3 : i32
          %add3A_158 = arith.addi %scan3A_82, %add3A_157 : i32
          %dma_start3A_159 = arith.constant 0 : i32
          %dma_start3A_160 = tpu.memref_slice %arg9[%add3A_158, %dma_start3A_159] : memref<78x128xi32, #tpu.memory_space<vmem>> -> memref<1x128xi32, #tpu.memory_space<vmem>>
          %dma_start3A_161 = tpu.memref_squeeze %dma_start3A_160 : memref<1x128xi32, #tpu.memory_space<vmem>> -> memref<128xi32, #tpu.memory_space<vmem>>
          %dma_start3A_162 = arith.constant 0 : i32
          %dma_start3A_163 = arith.constant 0 : i32
          %dma_start3A_164 = tpu.memref_slice %arg2[%dma_start3A_162, %dma_start3A_163] : memref<10000x64xf32, #tpu.memory_space<hbm>> -> memref<10000x64xf32, #tpu.memory_space<hbm>>
          tpu.enqueue_indirect_dma source(%dma_start3A_164 : memref<10000x64xf32, #tpu.memory_space<hbm>>) target(%arg14 : memref<128x64xf32, #tpu.memory_space<vmem>>) offsets(%dma_start3A_161 : memref<128xi32, #tpu.memory_space<vmem>>) semaphore(%arg22 : memref<!tpu.dma_semaphore, #tpu.memory_space<semaphore_mem>>)
        } else {
        }
        %lt3A_140 = arith.constant 3 : i32
        %lt3A_141 = arith.cmpi slt, %scan3A_82, %lt3A_140 : i32
        %add3A_142 = arith.constant 3 : i32
        %add3A_143 = arith.addi %scan3A_82, %add3A_142 : i32
        %lt3A_144 = arith.constant 78 : i32
        %lt3A_145 = arith.cmpi slt, %add3A_143, %lt3A_144 : i32
        %and3A_146 = arith.andi %lt3A_141, %lt3A_145 : i1
        %convert_element_type3A_147 = arith.extui %and3A_146 : i1 to i32
        %cond3A_148 = arith.constant 0 : i32
        %cond3A_149 = arith.cmpi ne, %convert_element_type3A_147, %cond3A_148 : i32
        scf.if %cond3A_149 {
          %add3A_150 = arith.constant 3 : i32
          %add3A_151 = arith.addi %scan3A_82, %add3A_150 : i32
          %dma_start3A_152 = arith.constant 0 : i32
          %dma_start3A_153 = tpu.memref_slice %arg9[%add3A_151, %dma_start3A_152] : memref<78x128xi32, #tpu.memory_space<vmem>> -> memref<1x128xi32, #tpu.memory_space<vmem>>
          %dma_start3A_154 = tpu.memref_squeeze %dma_start3A_153 : memref<1x128xi32, #tpu.memory_space<vmem>> -> memref<128xi32, #tpu.memory_space<vmem>>
          %dma_start3A_155 = arith.constant 0 : i32
          %dma_start3A_156 = arith.constant 0 : i32
          %dma_start3A_157 = tpu.memref_slice %arg2[%dma_start3A_155, %dma_start3A_156] : memref<10000x64xf32, #tpu.memory_space<hbm>> -> memref<10000x64xf32, #tpu.memory_space<hbm>>
          tpu.enqueue_indirect_dma source(%dma_start3A_157 : memref<10000x64xf32, #tpu.memory_space<hbm>>) target(%arg14 : memref<128x64xf32, #tpu.memory_space<vmem>>) offsets(%dma_start3A_154 : memref<128xi32, #tpu.memory_space<vmem>>) semaphore(%arg22 : memref<!tpu.dma_semaphore, #tpu.memory_space<semaphore_mem>>)
        } else {
        }
      } else {
      }
      %rem3A_114 = arith.constant 6 : i32
      %rem3A_115 = arith.remsi %scan3A_82, %rem3A_114 : i32
      %eq3A_116 = arith.constant 5 : i32
      %eq3A_117 = arith.cmpi eq, %rem3A_115, %eq3A_116 : i32
      %convert_element_type3A_118 = arith.extui %eq3A_117 : i1 to i32
      %cond3A_119 = arith.constant 0 : i32
      %cond3A_120 = arith.cmpi ne, %convert_element_type3A_118, %cond3A_119 : i32
      scf.if %cond3A_120 {
        %dma_wait3A_121 = arith.constant 0 : i32
        %dma_wait3A_122 = tpu.memref_slice %arg9[%scan3A_82, %dma_wait3A_121] : memref<78x128xi32, #tpu.memory_space<vmem>> -> memref<1x128xi32, #tpu.memory_space<vmem>>
        %dma_wait3A_123 = tpu.memref_squeeze %dma_wait3A_122 : memref<1x128xi32, #tpu.memory_space<vmem>> -> memref<128xi32, #tpu.memory_space<vmem>>
        %dma_wait3A_124 = arith.constant 0 : i32
        %dma_wait3A_125 = arith.constant 0 : i32
        %dma_wait3A_126 = tpu.memref_slice %arg2[%dma_wait3A_124, %dma_wait3A_125] : memref<10000x64xf32, #tpu.memory_space<hbm>> -> memref<10000x64xf32, #tpu.memory_space<hbm>>
        tpu.wait_indirect_dma semaphore(%arg26 : memref<!tpu.dma_semaphore, #tpu.memory_space<semaphore_mem>>) src(%dma_wait3A_126 : memref<10000x64xf32, #tpu.memory_space<hbm>>) dst(%arg18 : memref<128x64xf32, #tpu.memory_space<vmem>>)
        %dma_start3A_127 = arith.constant 0 : i32
        %dma_start3A_128 = tpu.memref_slice %arg10[%scan3A_82, %dma_start3A_127] : memref<78x128xi32, #tpu.memory_space<vmem>> -> memref<1x128xi32, #tpu.memory_space<vmem>>
        %dma_start3A_129 = tpu.memref_squeeze %dma_start3A_128 : memref<1x128xi32, #tpu.memory_space<vmem>> -> memref<128xi32, #tpu.memory_space<vmem>>
        %dma_start3A_130 = arith.constant 0 : i32
        %dma_start3A_131 = arith.constant 0 : i32
        %dma_start3A_132 = tpu.memref_slice %arg20[%dma_start3A_130, %dma_start3A_131] : memref<10112x64xf32, #tpu.memory_space<vmem_shared>> -> memref<10112x64xf32, #tpu.memory_space<vmem_shared>>
        tpu.enqueue_indirect_dma source(%arg18 : memref<128x64xf32, #tpu.memory_space<vmem>>) target(%dma_start3A_132 : memref<10112x64xf32, #tpu.memory_space<vmem_shared>>) offsets(%dma_start3A_129 : memref<128xi32, #tpu.memory_space<vmem>>) semaphore(%arg32 : memref<!tpu.dma_semaphore, #tpu.memory_space<semaphore_mem>>) {add = true}
        %ge3A = arith.constant 3 : i32
        %ge3A_133 = arith.cmpi sge, %scan3A_82, %ge3A : i32
        %add3A_134 = arith.constant 3 : i32
        %add3A_135 = arith.addi %scan3A_82, %add3A_134 : i32
        %lt3A = arith.constant 78 : i32
        %lt3A_136 = arith.cmpi slt, %add3A_135, %lt3A : i32
        %and3A = arith.andi %ge3A_133, %lt3A_136 : i1
        %convert_element_type3A_137 = arith.extui %and3A : i1 to i32
        %cond3A_138 = arith.constant 0 : i32
        %cond3A_139 = arith.cmpi ne, %convert_element_type3A_137, %cond3A_138 : i32
        scf.if %cond3A_139 {
          %sub3A = arith.constant 3 : i32
          %sub3A_150 = arith.subi %scan3A_82, %sub3A : i32
          %dma_wait3A_151 = arith.constant 0 : i32
          %dma_wait3A_152 = tpu.memref_slice %arg10[%sub3A_150, %dma_wait3A_151] : memref<78x128xi32, #tpu.memory_space<vmem>> -> memref<1x128xi32, #tpu.memory_space<vmem>>
          %dma_wait3A_153 = tpu.memref_squeeze %dma_wait3A_152 : memref<1x128xi32, #tpu.memory_space<vmem>> -> memref<128xi32, #tpu.memory_space<vmem>>
          %dma_wait3A_154 = arith.constant 0 : i32
          %dma_wait3A_155 = arith.constant 0 : i32
          %dma_wait3A_156 = tpu.memref_slice %arg20[%dma_wait3A_154, %dma_wait3A_155] : memref<10112x64xf32, #tpu.memory_space<vmem_shared>> -> memref<10112x64xf32, #tpu.memory_space<vmem_shared>>
          tpu.wait_indirect_dma semaphore(%arg29 : memref<!tpu.dma_semaphore, #tpu.memory_space<semaphore_mem>>) src(%arg15 : memref<128x64xf32, #tpu.memory_space<vmem>>) dst(%dma_wait3A_156 : memref<10112x64xf32, #tpu.memory_space<vmem_shared>>)
          %add3A_157 = arith.constant 3 : i32
          %add3A_158 = arith.addi %scan3A_82, %add3A_157 : i32
          %dma_start3A_159 = arith.constant 0 : i32
          %dma_start3A_160 = tpu.memref_slice %arg9[%add3A_158, %dma_start3A_159] : memref<78x128xi32, #tpu.memory_space<vmem>> -> memref<1x128xi32, #tpu.memory_space<vmem>>
          %dma_start3A_161 = tpu.memref_squeeze %dma_start3A_160 : memref<1x128xi32, #tpu.memory_space<vmem>> -> memref<128xi32, #tpu.memory_space<vmem>>
          %dma_start3A_162 = arith.constant 0 : i32
          %dma_start3A_163 = arith.constant 0 : i32
          %dma_start3A_164 = tpu.memref_slice %arg2[%dma_start3A_162, %dma_start3A_163] : memref<10000x64xf32, #tpu.memory_space<hbm>> -> memref<10000x64xf32, #tpu.memory_space<hbm>>
          tpu.enqueue_indirect_dma source(%dma_start3A_164 : memref<10000x64xf32, #tpu.memory_space<hbm>>) target(%arg15 : memref<128x64xf32, #tpu.memory_space<vmem>>) offsets(%dma_start3A_161 : memref<128xi32, #tpu.memory_space<vmem>>) semaphore(%arg23 : memref<!tpu.dma_semaphore, #tpu.memory_space<semaphore_mem>>)
        } else {
        }
        %lt3A_140 = arith.constant 3 : i32
        %lt3A_141 = arith.cmpi slt, %scan3A_82, %lt3A_140 : i32
        %add3A_142 = arith.constant 3 : i32
        %add3A_143 = arith.addi %scan3A_82, %add3A_142 : i32
        %lt3A_144 = arith.constant 78 : i32
        %lt3A_145 = arith.cmpi slt, %add3A_143, %lt3A_144 : i32
        %and3A_146 = arith.andi %lt3A_141, %lt3A_145 : i1
        %convert_element_type3A_147 = arith.extui %and3A_146 : i1 to i32
        %cond3A_148 = arith.constant 0 : i32
        %cond3A_149 = arith.cmpi ne, %convert_element_type3A_147, %cond3A_148 : i32
        scf.if %cond3A_149 {
          %add3A_150 = arith.constant 3 : i32
          %add3A_151 = arith.addi %scan3A_82, %add3A_150 : i32
          %dma_start3A_152 = arith.constant 0 : i32
          %dma_start3A_153 = tpu.memref_slice %arg9[%add3A_151, %dma_start3A_152] : memref<78x128xi32, #tpu.memory_space<vmem>> -> memref<1x128xi32, #tpu.memory_space<vmem>>
          %dma_start3A_154 = tpu.memref_squeeze %dma_start3A_153 : memref<1x128xi32, #tpu.memory_space<vmem>> -> memref<128xi32, #tpu.memory_space<vmem>>
          %dma_start3A_155 = arith.constant 0 : i32
          %dma_start3A_156 = arith.constant 0 : i32
          %dma_start3A_157 = tpu.memref_slice %arg2[%dma_start3A_155, %dma_start3A_156] : memref<10000x64xf32, #tpu.memory_space<hbm>> -> memref<10000x64xf32, #tpu.memory_space<hbm>>
          tpu.enqueue_indirect_dma source(%dma_start3A_157 : memref<10000x64xf32, #tpu.memory_space<hbm>>) target(%arg15 : memref<128x64xf32, #tpu.memory_space<vmem>>) offsets(%dma_start3A_154 : memref<128xi32, #tpu.memory_space<vmem>>) semaphore(%arg23 : memref<!tpu.dma_semaphore, #tpu.memory_space<semaphore_mem>>)
        } else {
        }
      } else {
      }
    }
    %scan3A_32 = arith.constant 78 : i32
    %dma_wait3A = arith.constant 72 : i32
    %dma_wait3A_33 = arith.constant 0 : i32
    %dma_wait3A_34 = tpu.memref_slice %arg10[%dma_wait3A, %dma_wait3A_33] : memref<78x128xi32, #tpu.memory_space<vmem>> -> memref<1x128xi32, #tpu.memory_space<vmem>>
    %dma_wait3A_35 = tpu.memref_squeeze %dma_wait3A_34 : memref<1x128xi32, #tpu.memory_space<vmem>> -> memref<128xi32, #tpu.memory_space<vmem>>
    %dma_wait3A_36 = arith.constant 0 : i32
    %dma_wait3A_37 = arith.constant 0 : i32
    %dma_wait3A_38 = tpu.memref_slice %arg20[%dma_wait3A_36, %dma_wait3A_37] : memref<10112x64xf32, #tpu.memory_space<vmem_shared>> -> memref<10112x64xf32, #tpu.memory_space<vmem_shared>>
    tpu.wait_indirect_dma semaphore(%arg27 : memref<!tpu.dma_semaphore, #tpu.memory_space<semaphore_mem>>) src(%arg13 : memref<128x64xf32, #tpu.memory_space<vmem>>) dst(%dma_wait3A_38 : memref<10112x64xf32, #tpu.memory_space<vmem_shared>>)
    %dma_wait3A_39 = arith.constant 73 : i32
    %dma_wait3A_40 = arith.constant 0 : i32
    %dma_wait3A_41 = tpu.memref_slice %arg10[%dma_wait3A_39, %dma_wait3A_40] : memref<78x128xi32, #tpu.memory_space<vmem>> -> memref<1x128xi32, #tpu.memory_space<vmem>>
    %dma_wait3A_42 = tpu.memref_squeeze %dma_wait3A_41 : memref<1x128xi32, #tpu.memory_space<vmem>> -> memref<128xi32, #tpu.memory_space<vmem>>
    %dma_wait3A_43 = arith.constant 0 : i32
    %dma_wait3A_44 = arith.constant 0 : i32
    %dma_wait3A_45 = tpu.memref_slice %arg20[%dma_wait3A_43, %dma_wait3A_44] : memref<10112x64xf32, #tpu.memory_space<vmem_shared>> -> memref<10112x64xf32, #tpu.memory_space<vmem_shared>>
    tpu.wait_indirect_dma semaphore(%arg28 : memref<!tpu.dma_semaphore, #tpu.memory_space<semaphore_mem>>) src(%arg14 : memref<128x64xf32, #tpu.memory_space<vmem>>) dst(%dma_wait3A_45 : memref<10112x64xf32, #tpu.memory_space<vmem_shared>>)
    %dma_wait3A_46 = arith.constant 74 : i32
    %dma_wait3A_47 = arith.constant 0 : i32
    %dma_wait3A_48 = tpu.memref_slice %arg10[%dma_wait3A_46, %dma_wait3A_47] : memref<78x128xi32, #tpu.memory_space<vmem>> -> memref<1x128xi32, #tpu.memory_space<vmem>>
    %dma_wait3A_49 = tpu.memref_squeeze %dma_wait3A_48 : memref<1x128xi32, #tpu.memory_space<vmem>> -> memref<128xi32, #tpu.memory_space<vmem>>
    %dma_wait3A_50 = arith.constant 0 : i32
    %dma_wait3A_51 = arith.constant 0 : i32
    %dma_wait3A_52 = tpu.memref_slice %arg20[%dma_wait3A_50, %dma_wait3A_51] : memref<10112x64xf32, #tpu.memory_space<vmem_shared>> -> memref<10112x64xf32, #tpu.memory_space<vmem_shared>>
    tpu.wait_indirect_dma semaphore(%arg29 : memref<!tpu.dma_semaphore, #tpu.memory_space<semaphore_mem>>) src(%arg15 : memref<128x64xf32, #tpu.memory_space<vmem>>) dst(%dma_wait3A_52 : memref<10112x64xf32, #tpu.memory_space<vmem_shared>>)
    %dma_wait3A_53 = arith.constant 75 : i32
    %dma_wait3A_54 = arith.constant 0 : i32
    %dma_wait3A_55 = tpu.memref_slice %arg10[%dma_wait3A_53, %dma_wait3A_54] : memref<78x128xi32, #tpu.memory_space<vmem>> -> memref<1x128xi32, #tpu.memory_space<vmem>>
    %dma_wait3A_56 = tpu.memref_squeeze %dma_wait3A_55 : memref<1x128xi32, #tpu.memory_space<vmem>> -> memref<128xi32, #tpu.memory_space<vmem>>
    %dma_wait3A_57 = arith.constant 0 : i32
    %dma_wait3A_58 = arith.constant 0 : i32
    %dma_wait3A_59 = tpu.memref_slice %arg20[%dma_wait3A_57, %dma_wait3A_58] : memref<10112x64xf32, #tpu.memory_space<vmem_shared>> -> memref<10112x64xf32, #tpu.memory_space<vmem_shared>>
    tpu.wait_indirect_dma semaphore(%arg30 : memref<!tpu.dma_semaphore, #tpu.memory_space<semaphore_mem>>) src(%arg16 : memref<128x64xf32, #tpu.memory_space<vmem>>) dst(%dma_wait3A_59 : memref<10112x64xf32, #tpu.memory_space<vmem_shared>>)
    %dma_wait3A_60 = arith.constant 76 : i32
    %dma_wait3A_61 = arith.constant 0 : i32
    %dma_wait3A_62 = tpu.memref_slice %arg10[%dma_wait3A_60, %dma_wait3A_61] : memref<78x128xi32, #tpu.memory_space<vmem>> -> memref<1x128xi32, #tpu.memory_space<vmem>>
    %dma_wait3A_63 = tpu.memref_squeeze %dma_wait3A_62 : memref<1x128xi32, #tpu.memory_space<vmem>> -> memref<128xi32, #tpu.memory_space<vmem>>
    %dma_wait3A_64 = arith.constant 0 : i32
    %dma_wait3A_65 = arith.constant 0 : i32
    %dma_wait3A_66 = tpu.memref_slice %arg20[%dma_wait3A_64, %dma_wait3A_65] : memref<10112x64xf32, #tpu.memory_space<vmem_shared>> -> memref<10112x64xf32, #tpu.memory_space<vmem_shared>>
    tpu.wait_indirect_dma semaphore(%arg31 : memref<!tpu.dma_semaphore, #tpu.memory_space<semaphore_mem>>) src(%arg17 : memref<128x64xf32, #tpu.memory_space<vmem>>) dst(%dma_wait3A_66 : memref<10112x64xf32, #tpu.memory_space<vmem_shared>>)
    %dma_wait3A_67 = arith.constant 77 : i32
    %dma_wait3A_68 = arith.constant 0 : i32
    %dma_wait3A_69 = tpu.memref_slice %arg10[%dma_wait3A_67, %dma_wait3A_68] : memref<78x128xi32, #tpu.memory_space<vmem>> -> memref<1x128xi32, #tpu.memory_space<vmem>>
    %dma_wait3A_70 = tpu.memref_squeeze %dma_wait3A_69 : memref<1x128xi32, #tpu.memory_space<vmem>> -> memref<128xi32, #tpu.memory_space<vmem>>
    %dma_wait3A_71 = arith.constant 0 : i32
    %dma_wait3A_72 = arith.constant 0 : i32
    %dma_wait3A_73 = tpu.memref_slice %arg20[%dma_wait3A_71, %dma_wait3A_72] : memref<10112x64xf32, #tpu.memory_space<vmem_shared>> -> memref<10112x64xf32, #tpu.memory_space<vmem_shared>>
    tpu.wait_indirect_dma semaphore(%arg32 : memref<!tpu.dma_semaphore, #tpu.memory_space<semaphore_mem>>) src(%arg18 : memref<128x64xf32, #tpu.memory_space<vmem>>) dst(%dma_wait3A_73 : memref<10112x64xf32, #tpu.memory_space<vmem_shared>>)
    %dma_wait3A_74 = arith.constant 0 : i32
    %dma_wait3A_75 = arith.constant 0 : i32
    %dma_wait3A_76 = tpu.memref_slice %arg2[%dma_wait3A_74, %dma_wait3A_75] : memref<10000x64xf32, #tpu.memory_space<hbm>> -> memref<10000x64xf32, #tpu.memory_space<hbm>>
    tpu.wait_indirect_dma semaphore(%arg33 : memref<!tpu.dma_semaphore, #tpu.memory_space<semaphore_mem>>) src(%dma_wait3A_76 : memref<10000x64xf32, #tpu.memory_space<hbm>>) dst(%arg19 : memref<16x64xf32, #tpu.memory_space<vmem>>)
    "tpu.region"() ({
      %run_scoped3A = tpu.sem_alloc : memref<!tpu.dma_semaphore, #tpu.memory_space<semaphore_mem>>
      %dma_start3A_82 = arith.constant 0 : i32
      %dma_start3A_83 = arith.constant 0 : i32
      %dma_start3A_84 = tpu.memref_slice %arg20[%dma_start3A_82, %dma_start3A_83] : memref<10112x64xf32, #tpu.memory_space<vmem_shared>> -> memref<10112x64xf32, #tpu.memory_space<vmem_shared>>
      tpu.enqueue_indirect_dma source(%arg19 : memref<16x64xf32, #tpu.memory_space<vmem>>) target(%dma_start3A_84 : memref<10112x64xf32, #tpu.memory_space<vmem_shared>>) offsets(%arg12 : memref<16xi32, #tpu.memory_space<vmem>>) semaphore(%run_scoped3A : memref<!tpu.dma_semaphore, #tpu.memory_space<semaphore_mem>>) {add = true}
      %dma_wait3A_85 = arith.constant 0 : i32
      %dma_wait3A_86 = arith.constant 0 : i32
      %dma_wait3A_87 = tpu.memref_slice %arg20[%dma_wait3A_85, %dma_wait3A_86] : memref<10112x64xf32, #tpu.memory_space<vmem_shared>> -> memref<10112x64xf32, #tpu.memory_space<vmem_shared>>
      tpu.wait_indirect_dma semaphore(%run_scoped3A : memref<!tpu.dma_semaphore, #tpu.memory_space<semaphore_mem>>) src(%arg19 : memref<16x64xf32, #tpu.memory_space<vmem>>) dst(%dma_wait3A_87 : memref<10112x64xf32, #tpu.memory_space<vmem_shared>>)
      tpu.yield
    }) : () -> ()
    %barrier3A_77 = arith.constant 0 : index
    tpu.barrier barrier_id(%barrier3A_77)
    %mul3A_78 = arith.constant 632 : i32
    %mul3A_79 = arith.muli %arg1, %mul3A_78 : i32
    %mul3A_80 = arith.constant 632 : i32
    %mul3A_81 = arith.muli %arg1, %mul3A_80 : i32
    "tpu.region"() ({
      %run_scoped3A = tpu.sem_alloc : memref<!tpu.dma_semaphore, #tpu.memory_space<semaphore_mem>>
      %dma_start3A_82 = arith.constant 0 : i32
      %dma_start3A_83 = tpu.memref_slice %arg8[%arg0, %mul3A_81, %dma_start3A_82] : memref<2x10112x64xf32, #tpu.memory_space<hbm>> -> memref<1x632x64xf32, #tpu.memory_space<hbm>>
      %dma_start3A_84 = tpu.memref_squeeze %dma_start3A_83 : memref<1x632x64xf32, #tpu.memory_space<hbm>> -> memref<632x64xf32, #tpu.memory_space<hbm>>
      %dma_start3A_85 = arith.constant 0 : i32
      %dma_start3A_86 = tpu.memref_slice %arg20[%mul3A_79, %dma_start3A_85] : memref<10112x64xf32, #tpu.memory_space<vmem_shared>> -> memref<632x64xf32, #tpu.memory_space<vmem_shared>>
      tpu.enqueue_dma source(%dma_start3A_86 : memref<632x64xf32, #tpu.memory_space<vmem_shared>>) target(%dma_start3A_84 : memref<632x64xf32, #tpu.memory_space<hbm>>) target_semaphore(%run_scoped3A : memref<!tpu.dma_semaphore, #tpu.memory_space<semaphore_mem>>)
      %dma_wait3A_87 = arith.constant 0 : i32
      %dma_wait3A_88 = tpu.memref_slice %arg8[%arg0, %mul3A_81, %dma_wait3A_87] : memref<2x10112x64xf32, #tpu.memory_space<hbm>> -> memref<1x632x64xf32, #tpu.memory_space<hbm>>
      %dma_wait3A_89 = tpu.memref_squeeze %dma_wait3A_88 : memref<1x632x64xf32, #tpu.memory_space<hbm>> -> memref<632x64xf32, #tpu.memory_space<hbm>>
      %dma_wait3A_90 = arith.constant 0 : i32
      %dma_wait3A_91 = tpu.memref_slice %arg20[%mul3A_79, %dma_wait3A_90] : memref<10112x64xf32, #tpu.memory_space<vmem_shared>> -> memref<632x64xf32, #tpu.memory_space<vmem_shared>>
      tpu.wait_dma2 semaphore(%run_scoped3A : memref<!tpu.dma_semaphore, #tpu.memory_space<semaphore_mem>>) src(%dma_wait3A_91 : memref<632x64xf32, #tpu.memory_space<vmem_shared>>) dst(%dma_wait3A_89 : memref<632x64xf32, #tpu.memory_space<hbm>>)
      tpu.yield
    }) : () -> ()
    return
  }
}

module attributes {stable_mosaic.version = 14 : i64} {
  func.func @_tc_pre_body(%arg0: i32, %arg1: memref<1000x64xf32, #tpu.memory_space<vmem>>, %arg2: memref<1000x64xf32, #tpu.memory_space<vmem>>, %arg3: memref<8x64xf32, #tpu.memory_space<vmem>>, %arg4: memref<8x64xf32, #tpu.memory_space<vmem>>, %arg5: memref<128x64xf32, #tpu.memory_space<vmem>>, %arg6: memref<2x1000x8xf32, #tpu.memory_space<vmem>>, %arg7: memref<1000x64xf32, #tpu.memory_space<vmem>>) attributes {dimension_semantics = [#tpu.dimension_semantics<arbitrary>], iteration_bounds = array<i64: 10>, scalar_prefetch = 0 : i64, scratch_operands = 0 : i64, tpu.core_type = #tpu.core_type<tc>, window_params = [{transform_indices = @transform_0, window_bounds = array<i64: 1000, 64>}, {transform_indices = @transform_1, window_bounds = array<i64: 1000, 64>}, {pipeline_mode = #tpu.pipeline_mode<synchronous>, transform_indices = @transform_2, window_bounds = array<i64: 8, 64>}, {pipeline_mode = #tpu.pipeline_mode<synchronous>, transform_indices = @transform_3, window_bounds = array<i64: 8, 64>}, {pipeline_mode = #tpu.pipeline_mode<synchronous>, transform_indices = @transform_4, window_bounds = array<i64: 128, 64>}, {transform_indices = @transform_5, window_bounds = array<i64: 2, 1000, 8>}, {transform_indices = @transform_6, window_bounds = array<i64: 1000, 64>}]} {
    %get3A = arith.constant 0 : index
    %get3A_0 = arith.constant 0 : index
    %get3A_1 = vector.load %arg3[%get3A, %get3A_0] : memref<8x64xf32, #tpu.memory_space<vmem>>, vector<1x64xf32>
    %get3A_2 = arith.constant 0 : index
    %get3A_3 = arith.constant 0 : index
    %get3A_4 = vector.load %arg4[%get3A_2, %get3A_3] : memref<8x64xf32, #tpu.memory_space<vmem>>, vector<1x64xf32>
    %get3A_5 = arith.constant 0 : index
    %get3A_6 = arith.constant 0 : index
    %get3A_7 = vector.load %arg1[%get3A_5, %get3A_6] : memref<1000x64xf32, #tpu.memory_space<vmem>>, vector<1000x64xf32>
    %reduce_sum3A = arith.constant dense<0.000000e+00> : vector<1000xf32>
    %reduce_sum3A_8 = vector.multi_reduction <add>, %get3A_7, %reduce_sum3A [1] : vector<1000x64xf32> to vector<1000xf32>
    %broadcast_in_dim3A = vector.shape_cast %reduce_sum3A_8 : vector<1000xf32> to vector<1000x1xf32>
    %div3A = arith.constant 6.400000e+01 : f32
    %div3A_9 = vector.broadcast %div3A : f32 to vector<1000x1xf32>
    %div3A_10 = arith.divf %broadcast_in_dim3A, %div3A_9 : vector<1000x1xf32>
    %sub3A = vector.broadcast %div3A_10 : vector<1000x1xf32> to vector<1000x64xf32>
    %sub3A_11 = arith.subf %get3A_7, %sub3A : vector<1000x64xf32>
    %mul3A = arith.mulf %sub3A_11, %sub3A_11 : vector<1000x64xf32>
    %reduce_sum3A_12 = arith.constant dense<0.000000e+00> : vector<1000xf32>
    %reduce_sum3A_13 = vector.multi_reduction <add>, %mul3A, %reduce_sum3A_12 [1] : vector<1000x64xf32> to vector<1000xf32>
    %broadcast_in_dim3A_14 = vector.shape_cast %reduce_sum3A_13 : vector<1000xf32> to vector<1000x1xf32>
    %div3A_15 = arith.constant 6.400000e+01 : f32
    %div3A_16 = vector.broadcast %div3A_15 : f32 to vector<1000x1xf32>
    %div3A_17 = arith.divf %broadcast_in_dim3A_14, %div3A_16 : vector<1000x1xf32>
    %add3A = arith.constant 9.99999974E-6 : f32
    %add3A_18 = vector.broadcast %add3A : f32 to vector<1000x1xf32>
    %add3A_19 = arith.addf %div3A_17, %add3A_18 : vector<1000x1xf32>
    %rsqrt3A = math.rsqrt %add3A_19 : vector<1000x1xf32>
    %mul3A_20 = vector.broadcast %rsqrt3A : vector<1000x1xf32> to vector<1000x64xf32>
    %mul3A_21 = arith.mulf %sub3A_11, %mul3A_20 : vector<1000x64xf32>
    %mul3A_22 = vector.broadcast %get3A_1 : vector<1x64xf32> to vector<1000x64xf32>
    %mul3A_23 = arith.mulf %mul3A_21, %mul3A_22 : vector<1000x64xf32>
    %add3A_24 = vector.broadcast %get3A_4 : vector<1x64xf32> to vector<1000x64xf32>
    %add3A_25 = arith.addf %mul3A_23, %add3A_24 : vector<1000x64xf32>
    %get3A_26 = arith.constant 0 : index
    %get3A_27 = arith.constant 0 : index
    %get3A_28 = vector.load %arg2[%get3A_26, %get3A_27] : memref<1000x64xf32, #tpu.memory_space<vmem>>, vector<1000x64xf32>
    %reduce_sum3A_29 = arith.constant dense<0.000000e+00> : vector<1000xf32>
    %reduce_sum3A_30 = vector.multi_reduction <add>, %get3A_28, %reduce_sum3A_29 [1] : vector<1000x64xf32> to vector<1000xf32>
    %broadcast_in_dim3A_31 = vector.shape_cast %reduce_sum3A_30 : vector<1000xf32> to vector<1000x1xf32>
    %div3A_32 = arith.constant 6.400000e+01 : f32
    %div3A_33 = vector.broadcast %div3A_32 : f32 to vector<1000x1xf32>
    %div3A_34 = arith.divf %broadcast_in_dim3A_31, %div3A_33 : vector<1000x1xf32>
    %sub3A_35 = vector.broadcast %div3A_34 : vector<1000x1xf32> to vector<1000x64xf32>
    %sub3A_36 = arith.subf %get3A_28, %sub3A_35 : vector<1000x64xf32>
    %mul3A_37 = arith.mulf %sub3A_36, %sub3A_36 : vector<1000x64xf32>
    %reduce_sum3A_38 = arith.constant dense<0.000000e+00> : vector<1000xf32>
    %reduce_sum3A_39 = vector.multi_reduction <add>, %mul3A_37, %reduce_sum3A_38 [1] : vector<1000x64xf32> to vector<1000xf32>
    %broadcast_in_dim3A_40 = vector.shape_cast %reduce_sum3A_39 : vector<1000xf32> to vector<1000x1xf32>
    %div3A_41 = arith.constant 6.400000e+01 : f32
    %div3A_42 = vector.broadcast %div3A_41 : f32 to vector<1000x1xf32>
    %div3A_43 = arith.divf %broadcast_in_dim3A_40, %div3A_42 : vector<1000x1xf32>
    %add3A_44 = arith.constant 9.99999974E-6 : f32
    %add3A_45 = vector.broadcast %add3A_44 : f32 to vector<1000x1xf32>
    %add3A_46 = arith.addf %div3A_43, %add3A_45 : vector<1000x1xf32>
    %rsqrt3A_47 = math.rsqrt %add3A_46 : vector<1000x1xf32>
    %mul3A_48 = vector.broadcast %rsqrt3A_47 : vector<1000x1xf32> to vector<1000x64xf32>
    %mul3A_49 = arith.mulf %sub3A_36, %mul3A_48 : vector<1000x64xf32>
    %mul3A_50 = vector.broadcast %get3A_1 : vector<1x64xf32> to vector<1000x64xf32>
    %mul3A_51 = arith.mulf %mul3A_49, %mul3A_50 : vector<1000x64xf32>
    %add3A_52 = vector.broadcast %get3A_4 : vector<1x64xf32> to vector<1000x64xf32>
    %add3A_53 = arith.addf %mul3A_51, %add3A_52 : vector<1000x64xf32>
    %get3A_54 = arith.constant 0 : index
    %get3A_55 = arith.constant 0 : index
    %get3A_56 = vector.load %arg5[%get3A_54, %get3A_55] : memref<128x64xf32, #tpu.memory_space<vmem>>, vector<64x64xf32>
    %dot_general3A = arith.constant dense<0.000000e+00> : vector<1000x64xf32>
    %dot_general3A_57 = tpu.matmul %add3A_25, %get3A_56, %dot_general3A {dimension_numbers = #tpu.dot_dimension_numbers<[1], [0], [0], [1], [0, 0, 1, 1], [], []>, transpose_lhs_hint = false} : vector<1000x64xf32>, vector<64x64xf32>, vector<1000x64xf32> -> vector<1000x64xf32>
    %get3A_58 = arith.constant 64 : index
    %get3A_59 = arith.constant 0 : index
    %get3A_60 = vector.load %arg5[%get3A_58, %get3A_59] : memref<128x64xf32, #tpu.memory_space<vmem>>, vector<64x64xf32>
    %dot_general3A_61 = arith.constant dense<0.000000e+00> : vector<1000x64xf32>
    %dot_general3A_62 = tpu.matmul %add3A_53, %get3A_60, %dot_general3A_61 {dimension_numbers = #tpu.dot_dimension_numbers<[1], [0], [0], [1], [0, 0, 1, 1], [], []>, transpose_lhs_hint = false} : vector<1000x64xf32>, vector<64x64xf32>, vector<1000x64xf32> -> vector<1000x64xf32>
    %add3A_63 = arith.addf %dot_general3A_57, %dot_general3A_62 : vector<1000x64xf32>
    %get3A_64 = arith.constant 0 : index
    %get3A_65 = arith.constant 0 : index
    %get3A_66 = arith.constant 0 : index
    %get3A_67 = vector.load %arg6[%get3A_64, %get3A_65, %get3A_66] : memref<2x1000x8xf32, #tpu.memory_space<vmem>>, vector<2x1000x8xf32>
    %slice3A = vector.extract_strided_slice %get3A_67 {offsets = [0, 0, 0], sizes = [1, 1000, 1], strides = [1, 1, 1]} : vector<2x1000x8xf32> to vector<1x1000x1xf32>
    %squeeze3A = vector.shape_cast %slice3A : vector<1x1000x1xf32> to vector<1000x1xf32>
    %add3A_68 = arith.constant 1.000000e+00 : f32
    %add3A_69 = vector.broadcast %add3A_68 : f32 to vector<1000x1xf32>
    %add3A_70 = arith.addf %add3A_69, %squeeze3A : vector<1000x1xf32>
    %slice3A_71 = vector.extract_strided_slice %get3A_67 {offsets = [1, 0, 0], sizes = [1, 1000, 1], strides = [1, 1, 1]} : vector<2x1000x8xf32> to vector<1x1000x1xf32>
    %squeeze3A_72 = vector.shape_cast %slice3A_71 : vector<1x1000x1xf32> to vector<1000x1xf32>
    %add3A_73 = arith.addf %add3A_70, %squeeze3A_72 : vector<1000x1xf32>
    %rsqrt3A_74 = math.rsqrt %add3A_73 : vector<1000x1xf32>
    %mul3A_75 = vector.broadcast %rsqrt3A_74 : vector<1000x1xf32> to vector<1000x64xf32>
    %mul3A_76 = arith.mulf %add3A_63, %mul3A_75 : vector<1000x64xf32>
    %swap3A = arith.constant 0 : index
    %swap3A_77 = arith.constant 0 : index
    %swap3A_78 = vector.load %arg7[%swap3A, %swap3A_77] : memref<1000x64xf32, #tpu.memory_space<vmem>>, vector<1000x64xf32>
    tpu.vector_store %arg7[%swap3A, %swap3A_77], %mul3A_76 {strides = array<i32>} : memref<1000x64xf32, #tpu.memory_space<vmem>>, vector<1000x64xf32>,
    return
  }
  func.func @transform_0(%arg0: i32) -> (i32, i32) {
    %c0_i32 = arith.constant 0 : i32
    %c0_i32_0 = arith.constant 0 : i32
    return %arg0, %c0_i32 : i32, i32
  }
  func.func @transform_1(%arg0: i32) -> (i32, i32) {
    %c0_i32 = arith.constant 0 : i32
    %c0_i32_0 = arith.constant 0 : i32
    return %arg0, %c0_i32 : i32, i32
  }
  func.func @transform_2(%arg0: i32) -> (i32, i32) {
    %c0_i32 = arith.constant 0 : i32
    %c0_i32_0 = arith.constant 0 : i32
    %c0_i32_1 = arith.constant 0 : i32
    return %c0_i32, %c0_i32_0 : i32, i32
  }
  func.func @transform_3(%arg0: i32) -> (i32, i32) {
    %c0_i32 = arith.constant 0 : i32
    %c0_i32_0 = arith.constant 0 : i32
    %c0_i32_1 = arith.constant 0 : i32
    return %c0_i32, %c0_i32_0 : i32, i32
  }
  func.func @transform_4(%arg0: i32) -> (i32, i32) {
    %c0_i32 = arith.constant 0 : i32
    %c0_i32_0 = arith.constant 0 : i32
    %c0_i32_1 = arith.constant 0 : i32
    return %c0_i32, %c0_i32_0 : i32, i32
  }
  func.func @transform_5(%arg0: i32) -> (i32, i32, i32) {
    %c0_i32 = arith.constant 0 : i32
    %c0_i32_0 = arith.constant 0 : i32
    %c0_i32_1 = arith.constant 0 : i32
    return %c0_i32, %arg0, %c0_i32_0 : i32, i32, i32
  }
  func.func @transform_6(%arg0: i32) -> (i32, i32) {
    %c0_i32 = arith.constant 0 : i32
    %c0_i32_0 = arith.constant 0 : i32
    return %arg0, %c0_i32 : i32, i32
  }
}

module attributes {stable_mosaic.version = 14 : i64} {
  func.func @_tc_post_body(%arg0: i32, %arg1: memref<2x1000x64xf32, #tpu.memory_space<vmem>>, %arg2: memref<1000x64xf32, #tpu.memory_space<vmem>>, %arg3: memref<2x1000x8xf32, #tpu.memory_space<vmem>>, %arg4: memref<8x64xf32, #tpu.memory_space<vmem>>, %arg5: memref<1000x64xf32, #tpu.memory_space<vmem>>) attributes {dimension_semantics = [#tpu.dimension_semantics<arbitrary>], iteration_bounds = array<i64: 10>, scalar_prefetch = 0 : i64, scratch_operands = 0 : i64, tpu.core_type = #tpu.core_type<tc>, window_params = [{transform_indices = @transform_0, window_bounds = array<i64: 2, 1000, 64>}, {transform_indices = @transform_1, window_bounds = array<i64: 1000, 64>}, {transform_indices = @transform_2, window_bounds = array<i64: 2, 1000, 8>}, {pipeline_mode = #tpu.pipeline_mode<synchronous>, transform_indices = @transform_3, window_bounds = array<i64: 8, 64>}, {transform_indices = @transform_4, window_bounds = array<i64: 1000, 64>}]} {
    %get3A = arith.constant 0 : index
    %get3A_0 = arith.constant 0 : index
    %get3A_1 = arith.constant 0 : index
    %get3A_2 = vector.load %arg3[%get3A, %get3A_0, %get3A_1] : memref<2x1000x8xf32, #tpu.memory_space<vmem>>, vector<2x1000x8xf32>
    %slice3A = vector.extract_strided_slice %get3A_2 {offsets = [0, 0, 0], sizes = [1, 1000, 1], strides = [1, 1, 1]} : vector<2x1000x8xf32> to vector<1x1000x1xf32>
    %squeeze3A = vector.shape_cast %slice3A : vector<1x1000x1xf32> to vector<1000x1xf32>
    %add3A = arith.constant 1.000000e+00 : f32
    %add3A_3 = vector.broadcast %add3A : f32 to vector<1000x1xf32>
    %add3A_4 = arith.addf %add3A_3, %squeeze3A : vector<1000x1xf32>
    %slice3A_5 = vector.extract_strided_slice %get3A_2 {offsets = [1, 0, 0], sizes = [1, 1000, 1], strides = [1, 1, 1]} : vector<2x1000x8xf32> to vector<1x1000x1xf32>
    %squeeze3A_6 = vector.shape_cast %slice3A_5 : vector<1x1000x1xf32> to vector<1000x1xf32>
    %add3A_7 = arith.addf %add3A_4, %squeeze3A_6 : vector<1000x1xf32>
    %rsqrt3A = math.rsqrt %add3A_7 : vector<1000x1xf32>
    %get3A_8 = arith.constant 0 : index
    %get3A_9 = arith.constant 0 : index
    %get3A_10 = arith.constant 0 : index
    %get3A_11 = vector.load %arg1[%get3A_8, %get3A_9, %get3A_10] : memref<2x1000x64xf32, #tpu.memory_space<vmem>>, vector<1x1000x64xf32>
    %get3A_12 = vector.shape_cast %get3A_11 : vector<1x1000x64xf32> to vector<1000x64xf32>
    %get3A_13 = arith.constant 1 : index
    %get3A_14 = arith.constant 0 : index
    %get3A_15 = arith.constant 0 : index
    %get3A_16 = vector.load %arg1[%get3A_13, %get3A_14, %get3A_15] : memref<2x1000x64xf32, #tpu.memory_space<vmem>>, vector<1x1000x64xf32>
    %get3A_17 = vector.shape_cast %get3A_16 : vector<1x1000x64xf32> to vector<1000x64xf32>
    %add3A_18 = arith.addf %get3A_12, %get3A_17 : vector<1000x64xf32>
    %get3A_19 = arith.constant 0 : index
    %get3A_20 = arith.constant 0 : index
    %get3A_21 = vector.load %arg2[%get3A_19, %get3A_20] : memref<1000x64xf32, #tpu.memory_space<vmem>>, vector<1000x64xf32>
    %add3A_22 = arith.addf %add3A_18, %get3A_21 : vector<1000x64xf32>
    %mul3A = vector.broadcast %rsqrt3A : vector<1000x1xf32> to vector<1000x64xf32>
    %mul3A_23 = arith.mulf %add3A_22, %mul3A : vector<1000x64xf32>
    %get3A_24 = arith.constant 0 : index
    %get3A_25 = arith.constant 0 : index
    %get3A_26 = vector.load %arg4[%get3A_24, %get3A_25] : memref<8x64xf32, #tpu.memory_space<vmem>>, vector<1x64xf32>
    %add3A_27 = vector.broadcast %get3A_26 : vector<1x64xf32> to vector<1000x64xf32>
    %add3A_28 = arith.addf %mul3A_23, %add3A_27 : vector<1000x64xf32>
    %swap3A = arith.constant 0 : index
    %swap3A_29 = arith.constant 0 : index
    %swap3A_30 = vector.load %arg5[%swap3A, %swap3A_29] : memref<1000x64xf32, #tpu.memory_space<vmem>>, vector<1000x64xf32>
    tpu.vector_store %arg5[%swap3A, %swap3A_29], %add3A_28 {strides = array<i32>} : memref<1000x64xf32, #tpu.memory_space<vmem>>, vector<1000x64xf32>,
    return
  }
  func.func @transform_0(%arg0: i32) -> (i32, i32, i32) {
    %c0_i32 = arith.constant 0 : i32
    %c0_i32_0 = arith.constant 0 : i32
    %c0_i32_1 = arith.constant 0 : i32
    return %c0_i32, %arg0, %c0_i32_0 : i32, i32, i32
  }
  func.func @transform_1(%arg0: i32) -> (i32, i32) {
    %c0_i32 = arith.constant 0 : i32
    %c0_i32_0 = arith.constant 0 : i32
    return %arg0, %c0_i32 : i32, i32
  }
  func.func @transform_2(%arg0: i32) -> (i32, i32, i32) {
    %c0_i32 = arith.constant 0 : i32
    %c0_i32_0 = arith.constant 0 : i32
    %c0_i32_1 = arith.constant 0 : i32
    return %c0_i32, %arg0, %c0_i32_0 : i32, i32, i32
  }
  func.func @transform_3(%arg0: i32) -> (i32, i32) {
    %c0_i32 = arith.constant 0 : i32
    %c0_i32_0 = arith.constant 0 : i32
    %c0_i32_1 = arith.constant 0 : i32
    return %c0_i32, %c0_i32_0 : i32, i32
  }
  func.func @transform_4(%arg0: i32) -> (i32, i32) {
    %c0_i32 = arith.constant 0 : i32
    %c0_i32_0 = arith.constant 0 : i32
    return %arg0, %c0_i32 : i32, i32
  }
}

</mosaic_0001>

<sc_bundles>
// kernel: kernel.6.cloned.1.call-start
scs
__scs_entry_jumppad:
0x0: {  	(pc) =	sbr.rel $0x88, $3  }
0x1: {  	(tag) =	ssettag $0x0;
	lr =	simm.s32 $0x1  }
0x2: {  	[smem:$0x3F9A] =	sst lr;
	_ =	strace $0xD0000000  }
0x3: {  	_ = 	snop  }
0x4: {  	_ = 	snop  }
0x5: {  	_ = 	snop  }
0x6: {  	_ = 	snop  }
0x7: {  	_ = 	snop  }
__scs_overlays_trampoline_lowered:
0x8: {  	[smem:$0x3FA9] =	sst s0  }
0x9: {  	[smem:$0x3FAA] =	sst s1  }
0xa: {  	[smem:$0x3FAB] =	sst s2  }
0xb: {  	[smem:$0x3FAC] =	sst s3  }
0xc: {  	[smem:$0x3FAD] =	sst s4  }
0xd: {  	[smem:$0x3FAE] =	sst s5  }
0xe: {  	[smem:$0x3FAF] =	sst s6  }
0xf: {  	[smem:$0x3FB0] =	sst s7  }
0x10: {  	[smem:$0x3FB1] =	sst s8  }
0x11: {  	[smem:$0x3FB2] =	sst s9;
	s0 =	simm.s32 @!p0 $0x0  }
0x12: {  	s1 =	sld [smem:$0x3F98];
	s0 =	simm.s32 @p0 $0x1  }
0x13: {  	[smem:$0x3FB3] =	sst s0;
	s0 =	simm.s32 @!p1 $0x0  }
0x14: {  	s2 =	sld [smem:$0x3F97];
	s0 =	simm.s32 @p1 $0x1  }
0x15: {  	[smem:$0x3FB4] =	sst s0;
	s0 =	simm.s32 @!p2 $0x0  }
0x16: {  	s3 =	sld [smem:$0x3FDB];
	s0 =	simm.s32 @p2 $0x1  }
0x17: {  	s4 =	simm.s32 $0x1BF5;
	[smem:$0x3FB6] =	sst s0  }
0x18: {  	s0 =	sld [smem:$0x3F99];
	_ =	swait.ge [sflag:s4], $0x0  }
0x19: {  	s7 =	sld [smem:$0x3F9A]  }
0x1a: {  	s8 =	sadd.s32 $0xFFFFE003, lr  }
0x1b: {  	s9 =	sadd.s32 $0xFFFFFEF7, lr;
	s5 =	simm.s32 $0xFFFFFFFF;
	p2 =	slt.u32 s8, $0xFFFFF086  }
0x1c: {  	p1 =	slt.u32 s9, $0xF7A;
	s5 =	simm.s32 @!p2 $0x0  }
0x1d: {  	s5 =	simm.s32 @p1 $0x1;
	p0 =	seq.s32 s7, s2  }
0x1e: {  	s7 =	smul.u32 @!p0 $0xF7A, s2;
	p2 =	seq.s32 @!p0 s5, $0x0  }
0x1f: {  	s9 =	smul.u32 $0xF7A, s1;
	s8 =	simm.s32 @!p0 $0x1BF5;
	p2 =	por !p2, p0  }
0x20: {  	[sflag:s8] =	ssyncset.s32 @!p0 $0xFFFFF086;
	s6 =	sadd.s32 @!p0 s3, s7;
	s7 =	simm.s32 @!p0 $0x108  }
0x21: {  	s3 =	sadd.s32 s3, s9;
	s6 =	sadd.s32 @!p0 $0x88, s6;
	s7 =	simm.s32 @p2 $0x1082  }
0x22: {  	[simem:s7], [sflag:s8] =	dma.local @!p0 [hbm:s6], $0xF7A  }
0x23: {  	s9 =	sor.u32 $0xD0000000, s2;
	s6 =	simm.s32 $0x108;
	_ =	swait.ge @!p0 [sflag:s8], $0x0  }
0x24: {  	s3 =	sadd.s32 $0x88, s3;
	s6 =	simm.s32 @!p1 $0x1082;
	[sflag:s4] =	ssyncset.s32 $0xFFFFF086  }
0x25: {  	[simem:s6], [sflag:s4] =	dma.local [hbm:s3], $0xF7A  }
0x26: {  	[smem:$0x3F9A] =	sst s1;
	(tag) =	ssettag s2;
	_ =	strace s9  }
0x27: {  	s1 =	sld [smem:$0x3FAA]  }
0x28: {  	s2 =	sld [smem:$0x3FAB]  }
0x29: {  	s4 =	sld [smem:$0x3FAD]  }
0x2a: {  	p0 =	seq.s32 s5, $0x0;
	s5 =	sld [smem:$0x3FAE]  }
0x2b: {  	s6 =	sld [smem:$0x3FAF]  }
0x2c: {  	s7 =	sld [smem:$0x3FB0]  }
0x2d: {  	s3 =	simm.s32 $0x108;
	s8 =	sld [smem:$0x3FB1]  }
0x2e: {  	s3 =	simm.s32 @!p0 $0x1082;
	s9 =	sld [smem:$0x3FB2]  }
0x2f: {  	lr =	sadd.s32 s0, s3;
	s0 =	sld [smem:$0x3FA9]  }
0x30: {  	s3 =	sld [smem:$0x3FAC]  }
0x31: {  	[smem:$0x3FB5] =	sst s10  }
0x32: {  	s10 =	sld [smem:$0x3FB3];
	_ =	sdelay $0x3  }
0x33: {  	p0 =	seq.s32 s10, $0x1;
	s10 =	sld [smem:$0x3FB5];
	_ =	sdelay $0x3  }
0x34: {  	[smem:$0x3FB5] =	sst s10  }
0x35: {  	s10 =	sld [smem:$0x3FB4];
	_ =	sdelay $0x3  }
0x36: {  	p1 =	seq.s32 s10, $0x1;
	s10 =	sld [smem:$0x3FB5];
	_ =	sdelay $0x3  }
0x37: {  	[smem:$0x3FB5] =	sst s10  }
0x38: {  	s10 =	sld [smem:$0x3FB6]  }
0x39: {  	_ = 	snop;
	(pc) =	sbr.ind lr, $3  }
0x3a: {  	_ = 	snop  }
0x3b: {  	_ = 	snop  }
0x3c: {  	p2 =	seq.s32 s10, $0x1;
	s10 =	sld [smem:$0x3FB5]  }
0x3d: {  	_ =	shalt  }
0x3e: {  	_ =	shalt  }
0x3f: {  	_ =	shalt  }
0x40: {  	_ =	shalt  }
0x41: {  	_ =	shalt  }
0x42: {  	_ =	shalt  }
0x43: {  	_ =	shalt  }
0x44: {  	_ =	shalt  }
0x45: {  	_ =	shalt  }
0x46: {  	_ =	shalt  }
0x47: {  	_ =	shalt  }
0x48: {  	_ =	shalt  }
0x49: {  	_ =	shalt  }
0x4a: {  	_ =	shalt  }
0x4b: {  	_ =	shalt  }
0x4c: {  	_ =	shalt  }
0x4d: {  	_ =	shalt  }
0x4e: {  	_ =	shalt  }
0x4f: {  	_ =	shalt  }
0x50: {  	_ =	shalt  }
0x51: {  	_ =	shalt  }
0x52: {  	_ =	shalt  }
0x53: {  	_ =	shalt  }
0x54: {  	_ =	shalt  }
0x55: {  	_ =	shalt  }
0x56: {  	_ =	shalt  }
0x57: {  	_ =	shalt  }
0x58: {  	_ =	shalt  }
0x59: {  	_ =	shalt  }
0x5a: {  	_ =	shalt  }
0x5b: {  	_ =	shalt  }
0x5c: {  	_ =	shalt  }
0x5d: {  	_ =	shalt  }
0x5e: {  	_ =	shalt  }
0x5f: {  	_ =	shalt  }
0x60: {  	_ =	shalt  }
0x61: {  	_ =	shalt  }
0x62: {  	_ =	shalt  }
0x63: {  	_ =	shalt  }
0x64: {  	_ =	shalt  }
0x65: {  	_ =	shalt  }
0x66: {  	_ =	shalt  }
0x67: {  	_ =	shalt  }
0x68: {  	_ =	shalt  }
0x69: {  	_ =	shalt  }
0x6a: {  	_ =	shalt  }
0x6b: {  	_ =	shalt  }
0x6c: {  	_ =	shalt  }
0x6d: {  	_ =	shalt  }
0x6e: {  	_ =	shalt  }
0x6f: {  	_ =	shalt  }
0x70: {  	_ =	shalt  }
0x71: {  	_ =	shalt  }
0x72: {  	_ =	shalt  }
0x73: {  	_ =	shalt  }
0x74: {  	_ =	shalt  }
0x75: {  	_ =	shalt  }
0x76: {  	_ =	shalt  }
0x77: {  	_ =	shalt  }
0x78: {  	_ =	shalt  }
0x79: {  	_ =	shalt  }
0x7a: {  	_ =	shalt  }
0x7b: {  	_ =	shalt  }
0x7c: {  	_ =	shalt  }
0x7d: {  	_ =	shalt  }
0x7e: {  	_ =	shalt  }
0x7f: {  	_ =	shalt  }
0x80: {  	_ =	shalt  }
0x81: {  	_ =	shalt  }
0x82: {  	_ =	shalt  }
0x83: {  	_ =	shalt  }
0x84: {  	_ =	shalt  }
0x85: {  	_ =	shalt  }
0x86: {  	_ =	shalt  }
0x87: {  	_ =	shalt  }
.Lfunc_end0:
.L_simem_size_0:
called_computation_lowered:
.L_overlay_start_0:
0x88: {  	s2 =	sld [smem:$0x3FD9]  }
0x89: {  	s3 =	sld [smem:$0x3FFE];
	_ =	sdelay $0x1  }
0x8a: {  	s1 =	srdreg.scid  }
0x8b: {  	s0 =	sand.u32 $0x1, s1  }
0x8c: {  	s16 =	sshll.u32 s0, $0xA;
	s2 =	sadd.s32 s3, s2  }
0x8d: {  	s2 =	sadd.s32 s2, s16  }
0x8e: {  	[smem:$0x3FC1] =	sst s2  }
0x8f: {  	_ = 	snop  }
0x90: {  	(tm) =	ssettm $0x1  }
0x91: {  	s17 =	sld [smem:$0x3FFB];
	_ =	sdelay $0x3  }
0x92: {  	_ =	strace s17  }
0x93: {  	s2 =	sld [smem:$0x3FFC];
	_ =	sdelay $0x3  }
0x94: {  	_ =	strace s2  }
0x95: {  	s2 =	sld [smem:$0x3FFD];
	_ =	sdelay $0x3  }
0x96: {  	_ =	strace s2  }
0x97: {  	_ =	strace $0x8FFFFFFF  }
0x98: {  	s18 =	sld [smem:$0x3FDB];
	_ =	sdelay $0x1  }
0x99: {  	s19 =	simm.s32 $_scs_section_size  }
0x9a: {  	s4 =	simm.s32 $_size__tile_overlayer_lowered;
	s5 =	simm.s32 $_tile_overlayer_lowered  }
0x9b: {  	s22 =	simm.s32 $0x1BFF;
	s21 =	sshll.u32 s5, $0x1;
	s2 =	sadd.s32 s19, s18  }
0x9c: {  	s6 =	simm.s32 $0x0;
	s20 =	sshll.u32 s4, $0x1;
	s4 =	sadd.s32 s21, s2  }
0x9d: {  	[timem:s6], [sflag:s22] =	dma.local [hbm:s4], s20  }
0x9e: {  	_ =	swait.ge [sflag:s22], s20  }
0x9f: {  	s3 =	ssub.s32 $0x0, s20;
	[sflag:s22] =	ssyncset.done $0x0  }
0xa0: {  	[sflag:s22] =	ssyncadd.s32 s3;
	_ =	sdelay $0x1  }
0xa1: {  	s23 =	simm.s32 $0x1B8B  }
0xa2: {  	_ =	swait.ge [sflag:s23], $0x1  }
0xa3: {  	[sflag:s23] =	ssyncset.done $0x0  }
0xa4: {  	s25 =	simm.s32 $0x1B8E;
	s24 =	sld [smem:$0x3FFE];
	[sflag:s23] =	ssyncadd.s32 $0xFFFFFFFF  }
0xa5: {  	s26 =	simm.s32 $execute0_lowered;
	[smem:$0x3FD2] =	sst s25  }
0xa6: {  	s4 =	sshll.u32 s26, $0x1;
	_ =	strace $0x80000046;
	[dreg:$0x1] =	wrdreg $0xFFFFFFFF  }
0xa7: {  	s28 =	simm.s32 $_size_execute0_lowered;
	s2 =	sadd.s32 s2, s4;
	[dreg:$0x0] =	wrdreg $0x0  }
0xa8: {  	s4 =	sshll.u32 s28, $0x1;
	[dreg:$0x2] =	wrdreg s2  }
0xa9: {  	[dreg:$0x3] =	wrdreg s4  }
0xaa: {  	[dreg:$0x4] =	wrdreg $0xC0  }
0xab: {  	_ =	task [dreg:s6], $0x5FFFF  }
0xac: {  	[dreg:$0x1] =	wrdreg $0xFFFFFFFF  }
0xad: {  	[dreg:$0x0] =	wrdreg $0x60  }
0xae: {  	[dreg:$0x2] =	wrdreg s24  }
0xaf: {  	[dreg:$0x3] =	wrdreg $0x2B100  }
0xb0: {  	[dreg:$0x4] =	wrdreg $0x9  }
0xb1: {  	_ =	task.clear_ibuf [dreg:s6], $0x5FFFF;
	_ =	strace $0x90000046  }
0xb2: {  	s29 =	simm.s32 $0x9;
	_ =	strace $0x80000048  }
0xb3: {  	_ =	swait.ge [sflag:s29], $0x1  }
0xb4: {  	[sflag:s29] =	ssyncadd.s32 $0xFFFFFFFF  }
0xb5: {  	_ =	strace $0x90000048  }
0xb6: {  	_ =	sfence  }
0xb7: {  	s30 =	sld [smem:$0x0];
	_ =	sdelay $0x2  }
0xb8: {  	s31 =	sshll.u32 s1, $0xD;
	s1 =	sshrl.u32 s1, $0x2  }
0xb9: {  	s3 =	sand.u32 $0x4000, s31;
	s1 =	sadd.s32 s1, s30  }
0xba: {  	s0 =	sor.u32 s3, s0;
	s1 =	sshll.u32 s1, $0x11  }
0xbb: {  	s0 =	sor.u32 s1, s0  }
0xbc: {  	s0 =	sadd.s32 $0x8F2B, s0  }
0xbd: {  	[sflag:s0] =	ssyncadd.remote.s32 $0x1  }
0xbe: {  	_ =	sfence.sel $0xFFFF  }
0xbf: {  	[dreg:$0x0] =	wrdreg $0xFFFFFFFF;
	(pc) =	sbr.abs _section_cstart, $3  }
0xc0: {  	[dreg:$0x1] =	wrdreg $0xFFFFFFFF  }
0xc1: {  	_ =	task.clear_ibuf [dreg:s6], $0x2FFFF;
	_ =	strace $0x9FFFFFFF  }
0xc2: {  	(tm) =	ssettm $0x7FFFFFFF  }
0xc3: {  	_ =	shalt  }
tec
execute0_lowered:
.L_overlay_start_1:
0x0: {  	(tag) =	ssettag $0x1  }
0x1: {  	s1 =	srdreg.scid;
	s6 =	rddreg [dreg:$0x0]  }
0x2: {  	s0 =	stileid.u32;
	s2 =	rddreg [dreg:$0x1];
	s3 =	simm.s32 $0x0  }
0x3: {  	s14 =	simm.s32 $0x2700;
	s15 =	simm.s32 $0x80;
	s16 =	simm.s32 $0x100  }
0x4: {  	s17 =	simm.s32 $0x180;
	s18 =	simm.s32 $0x1;
	s19 =	simm.s32 $0x10  }
0x5: {  	s20 =	simm.s32 $0x0;
	s5 =	sand.u32 $0x1, s1;
	s1 =	rddreg [dreg:$0x2]  }
0x6: {  	s30 =	sshll.u32 s0, $0x1;
	s8 =	smul.u32 $0x13C0, s0;
	[smem:$0x7FF] =	sst s3  }
0x7: {  	s31 =	sshll.u32 s0, $0x6;
	s4 =	sor.u32 s5, s30;
	s9 =	smul.u32 $0x13C00, s5  }
0x8: {  	_ =	strace $0x80000047;
	s5 =	ssub.s32 $0x2, s5;
	s7 =	smul.u32 $0x4E0, s4  }
0x9: {  	s4 =	sshll.u32 s4, $0x1;
	s11 =	sshrl.u32 s8, $0x3;
	s12 =	sshrl.u32 s5, $0x1  }
0xa: {  	s13 =	sadd.s32 s8, s2;
	s10 =	sadd.s32 s4, s6;
	s4 =	sadd.s32 $0xD800, s6  }
0xb: {  	s9 =	sadd.s32 s8, s9;
	s11 =	sadd.s32 s11, s6;
	s12 =	ssub.s32 s5, s12  }
0xc: {  	s13 =	sshrl.u32 s13, $0x3;
	s7 =	sadd.s32 s7, s6;
	s9 =	sshrl.u32 s9, $0x3  }
0xd: {  	s5 =	sadd.s32 $0xB000, s11;
	s11 =	simm.s32 $0x2;
	s9 =	sadd.s32 s9, s6  }
0xe: {  	s6 =	sadd.s32 $0x1200, s7;
	s7 =	sadd.s32 $0xAE00, s10;
	s10 =	simm.s32 $0x2710  }
0xf: {  	s8 =	sadd.s32 $0xDA00, s9;
	s9 =	smax.u32 s12, $0x1;
	s12 =	sor.u32 $0x1C02, s31  }
.LBB2_1:
0x10: {  	[tilespmem:s10], [sflag:$0x2] =	stream.linear.gather [hbm4b:s4+s3], $0x400, $0x38;
	[tilespmem:$0x3ED0] =	vst v63  }
0x11: {  	_ =	swait.ge [sflag:s11], $0x400  }
0x12: {  	[sflag:s11] =	ssyncset.done $0x0  }
0x13: {  	[sflag:s11] =	ssyncadd.s32 $0xFFFFFC00  }
0x14: {  	[spmem:s13], [sflag:s12] =	dma.local [hbm:s5], $0x278  }
0x15: {  	_ =	swait.ge [sflag:s11], $0x278  }
0x16: {  	[sflag:s11] =	ssyncset.done $0x0  }
0x17: {  	[sflag:s11] =	ssyncadd.s32 $0xFFFFFD88  }
0x18: {  	[tilespmem:s3], [sflag:$0x2] =	stream.linear.gather [hbm4b:s6+s3], $0x2700, $0x38;
	[tilespmem:$0x3ED0] =	vst v63  }
0x19: {  	_ =	swait.ge [sflag:s11], $0x2700  }
0x1a: {  	[sflag:s11] =	ssyncset.done $0x0  }
0x1b: {  	[sflag:s11] =	ssyncadd.s32 $0xFFFFD900  }
0x1c: {  	[tilespmem:s14], [sflag:$0x2] =	stream.linear.gather [hbm4b:s7+s3], $0x10, $0x38;
	[tilespmem:$0x3ED0] =	vst v63  }
0x1d: {  	_ =	swait.ge [sflag:s11], $0x10  }
0x1e: {  	[sflag:s11] =	ssyncset.done $0x0  }
0x1f: {  	[sflag:s11] =	ssyncadd.s32 $0xFFFFFFF0  }
0x20: {  	[bflag:$0x0] =	sbarrier.arrive $0xFFFF  }
0x21: {  	[spmem:s2] =	stream.indirect.scatter.add.f32 [tilespmem:s10], [sflag:$0x1], $0x8, s3, s15, $0xb8;
	[tilespmem:$0x3ED0] =	vst v63  }
0x22: {  	_ = 	snop  }
0x23: {  	[spmem:s2] =	stream.indirect.scatter.add.f32 [tilespmem:s10], [sflag:$0x1], $0x8, s15, s15, $0xb8;
	[tilespmem:$0x3ED0] =	vst v63  }
0x24: {  	_ = 	snop  }
0x25: {  	[spmem:s2] =	stream.indirect.scatter.add.f32 [tilespmem:s10], [sflag:$0x1], $0x8, s16, s15, $0xb8;
	[tilespmem:$0x3ED0] =	vst v63  }
0x26: {  	_ = 	snop  }
0x27: {  	[spmem:s2] =	stream.indirect.scatter.add.f32 [tilespmem:s10], [sflag:$0x1], $0x8, s17, s15, $0xb8;
	[tilespmem:$0x3ED0] =	vst v63  }
0x28: {  	s21 =	simm.s32 $0x200  }
0x29: {  	[spmem:s2] =	stream.indirect.scatter.add.f32 [tilespmem:s10], [sflag:$0x1], $0x8, s21, s15, $0xb8;
	[tilespmem:$0x3ED0] =	vst v63  }
0x2a: {  	_ =	swait.ge [sflag:s18], $0x400  }
0x2b: {  	s21 =	simm.s32 $0xA00;
	[sflag:s18] =	ssyncset.done $0x0  }
.LBB2_2:
0x2c: {  	s22 =	sshra.s32 s21, $0x2;
	[sflag:s18] =	ssyncadd.s32 $0xFFFFFC00;
	p0 =	sne.s32 s21, $0x9A00  }
0x2d: {  	[spmem:s2] =	stream.indirect.scatter.add.f32 [tilespmem:s10], [sflag:$0x1], $0x8, s22, s15, $0xb8;
	[tilespmem:$0x3ED0] =	vst v63  }
.Ltmp0:
0x2e: {  	_ = 	snop;
	(pc) =	sbr.rel @p0 .LBB2_2-.Ltmp0, $4  }
0x2f: {  	_ = 	snop  }
0x30: {  	s21 =	sadd.s32 $0x200, s21  }
0x31: {  	_ =	swait.ge [sflag:s18], $0x400  }
0x32: {  	[sflag:s18] =	ssyncset.done $0x0  }
0x33: {  	[sflag:s18] =	ssyncadd.s32 $0xFFFFFC00  }
0x34: {  	_ =	swait.ge [sflag:s18], $0x400  }
0x35: {  	[sflag:s18] =	ssyncset.done $0x0  }
0x36: {  	[sflag:s18] =	ssyncadd.s32 $0xFFFFFC00  }
0x37: {  	_ =	swait.ge [sflag:s18], $0x400  }
0x38: {  	[sflag:s18] =	ssyncset.done $0x0  }
0x39: {  	[sflag:s18] =	ssyncadd.s32 $0xFFFFFC00  }
0x3a: {  	_ =	swait.ge [sflag:s18], $0x400  }
0x3b: {  	[sflag:s18] =	ssyncset.done $0x0  }
0x3c: {  	[sflag:s18] =	ssyncadd.s32 $0xFFFFFC00  }
0x3d: {  	_ =	swait.ge [sflag:s18], $0x400  }
0x3e: {  	[sflag:s18] =	ssyncset.done $0x0  }
0x3f: {  	[sflag:s18] =	ssyncadd.s32 $0xFFFFFC00  }
0x40: {  	[spmem:s2] =	stream.indirect.scatter.add.f32 [tilespmem:s10], [sflag:$0x2], $0x8, s14, s19, $0xb8;
	[tilespmem:$0x3ED0] =	vst v63  }
0x41: {  	_ =	swait.ge [sflag:s11], $0x80  }
0x42: {  	s20 =	sadd.s32 $0x1, s20;
	[sflag:s11] =	ssyncset.done $0x0  }
0x43: {  	p0 =	sne.s32 s20, s9;
	[sflag:s11] =	ssyncadd.s32 $0xFFFFFF80  }
.Ltmp1:
0x44: {  	[bflag:$0x0] =	sbarrier.arrive $0xFFFF;
	(pc) =	sbr.rel @p0 .LBB2_1-.Ltmp1, $4  }
0x45: {  	[hbm:s8], [sflag:s12] =	dma.local [spmem:s13], $0x278  }
0x46: {  	_ =	swait.ge [sflag:s11], $0x278  }
0x47: {  	[sflag:s11] =	ssyncset.done $0x0  }
0x48: {  	[sflag:s11] =	ssyncadd.s32 $0xFFFFFD88  }
0x49: {  	_ =	sfence.sel $0x180000  }
0x4a: {  	[bflag:$0x0] =	sbarrier.arrive $0xFFFF  }
0x4b: {  	p0 =	sne.s32 s0, $0x0;
	_ =	strace $0x90000047  }
0x4c: {  	s0 =	sadd.s32 @!p0 $0x100000, s1;
	[bflag:$0x2] =	sbarrier.arrive $0xFFFF  }
0x4d: {  	[sflag:s0] =	ssyncadd.tile.s32 @!p0 $0x1;
	_ =	shalt  }
.Lfunc_end2:
_tile_overlayer_lowered:
.L_overlay_start_2:
0x4e: {  	(tag) =	ssettag $0x2  }
0x4f: {  	s0 =	rddreg [dreg:$0x0];
	s2 =	stileid.u32  }
0x50: {  	s1 =	rddreg [dreg:$0x1];
	p0 =	sne.s32 s2, $0x0  }
0x51: {  	s3 =	rddreg [dreg:$0x2];
	[bflag:$0x3] =	sbarrier.arrive $0xFFFF;
	s2 =	simm.s32 @!p0 $0x1C02  }
0x52: {  	[timem:s3], [sflag:s2] =	dma.local @!p0 [hbm:s0], s1  }
0x53: {  	s0 =	simm.s32 @!p0 $0x2  }
0x54: {  	_ =	swait.ge @!p0 [sflag:s0], s1  }
0x55: {  	s1 =	ssub.s32 @!p0 $0x0, s1;
	[sflag:s0] =	ssyncset.done @!p0 $0x0  }
0x56: {  	[sflag:s0] =	ssyncadd.s32 @!p0 s1  }
0x57: {  	[bflag:$0x3] =	sbarrier.arrive $0xFFFF  }
0x58: {  	_ =	shalt  }

// kernel: kernel.9.cloned.1.call-start
scs
__scs_entry_jumppad:
0x0: {  	(pc) =	sbr.rel $0x88, $3  }
0x1: {  	(tag) =	ssettag $0x0;
	lr =	simm.s32 $0x1  }
0x2: {  	[smem:$0x3F9A] =	sst lr;
	_ =	strace $0xD0000000  }
0x3: {  	_ = 	snop  }
0x4: {  	_ = 	snop  }
0x5: {  	_ = 	snop  }
0x6: {  	_ = 	snop  }
0x7: {  	_ = 	snop  }
__scs_overlays_trampoline_lowered:
0x8: {  	[smem:$0x3FA9] =	sst s0  }
0x9: {  	[smem:$0x3FAA] =	sst s1  }
0xa: {  	[smem:$0x3FAB] =	sst s2  }
0xb: {  	[smem:$0x3FAC] =	sst s3  }
0xc: {  	[smem:$0x3FAD] =	sst s4  }
0xd: {  	[smem:$0x3FAE] =	sst s5  }
0xe: {  	[smem:$0x3FAF] =	sst s6  }
0xf: {  	[smem:$0x3FB0] =	sst s7  }
0x10: {  	[smem:$0x3FB1] =	sst s8  }
0x11: {  	[smem:$0x3FB2] =	sst s9;
	s0 =	simm.s32 @!p0 $0x0  }
0x12: {  	s1 =	sld [smem:$0x3F98];
	s0 =	simm.s32 @p0 $0x1  }
0x13: {  	[smem:$0x3FB3] =	sst s0;
	s0 =	simm.s32 @!p1 $0x0  }
0x14: {  	s2 =	sld [smem:$0x3F97];
	s0 =	simm.s32 @p1 $0x1  }
0x15: {  	[smem:$0x3FB4] =	sst s0;
	s0 =	simm.s32 @!p2 $0x0  }
0x16: {  	s3 =	sld [smem:$0x3FDB];
	s0 =	simm.s32 @p2 $0x1  }
0x17: {  	s4 =	simm.s32 $0x1BF5;
	[smem:$0x3FB6] =	sst s0  }
0x18: {  	s0 =	sld [smem:$0x3F99];
	_ =	swait.ge [sflag:s4], $0x0  }
0x19: {  	s7 =	sld [smem:$0x3F9A]  }
0x1a: {  	s8 =	sadd.s32 $0xFFFFE003, lr  }
0x1b: {  	s9 =	sadd.s32 $0xFFFFFEF7, lr;
	s5 =	simm.s32 $0xFFFFFFFF;
	p2 =	slt.u32 s8, $0xFFFFF086  }
0x1c: {  	p1 =	slt.u32 s9, $0xF7A;
	s5 =	simm.s32 @!p2 $0x0  }
0x1d: {  	s5 =	simm.s32 @p1 $0x1;
	p0 =	seq.s32 s7, s2  }
0x1e: {  	s7 =	smul.u32 @!p0 $0xF7A, s2;
	p2 =	seq.s32 @!p0 s5, $0x0  }
0x1f: {  	s9 =	smul.u32 $0xF7A, s1;
	s8 =	simm.s32 @!p0 $0x1BF5;
	p2 =	por !p2, p0  }
0x20: {  	[sflag:s8] =	ssyncset.s32 @!p0 $0xFFFFF086;
	s6 =	sadd.s32 @!p0 s3, s7;
	s7 =	simm.s32 @!p0 $0x108  }
0x21: {  	s3 =	sadd.s32 s3, s9;
	s6 =	sadd.s32 @!p0 $0x88, s6;
	s7 =	simm.s32 @p2 $0x1082  }
0x22: {  	[simem:s7], [sflag:s8] =	dma.local @!p0 [hbm:s6], $0xF7A  }
0x23: {  	s9 =	sor.u32 $0xD0000000, s2;
	s6 =	simm.s32 $0x108;
	_ =	swait.ge @!p0 [sflag:s8], $0x0  }
0x24: {  	s3 =	sadd.s32 $0x88, s3;
	s6 =	simm.s32 @!p1 $0x1082;
	[sflag:s4] =	ssyncset.s32 $0xFFFFF086  }
0x25: {  	[simem:s6], [sflag:s4] =	dma.local [hbm:s3], $0xF7A  }
0x26: {  	[smem:$0x3F9A] =	sst s1;
	(tag) =	ssettag s2;
	_ =	strace s9  }
0x27: {  	s1 =	sld [smem:$0x3FAA]  }
0x28: {  	s2 =	sld [smem:$0x3FAB]  }
0x29: {  	s4 =	sld [smem:$0x3FAD]  }
0x2a: {  	p0 =	seq.s32 s5, $0x0;
	s5 =	sld [smem:$0x3FAE]  }
0x2b: {  	s6 =	sld [smem:$0x3FAF]  }
0x2c: {  	s7 =	sld [smem:$0x3FB0]  }
0x2d: {  	s3 =	simm.s32 $0x108;
	s8 =	sld [smem:$0x3FB1]  }
0x2e: {  	s3 =	simm.s32 @!p0 $0x1082;
	s9 =	sld [smem:$0x3FB2]  }
0x2f: {  	lr =	sadd.s32 s0, s3;
	s0 =	sld [smem:$0x3FA9]  }
0x30: {  	s3 =	sld [smem:$0x3FAC]  }
0x31: {  	[smem:$0x3FB5] =	sst s10  }
0x32: {  	s10 =	sld [smem:$0x3FB3];
	_ =	sdelay $0x3  }
0x33: {  	p0 =	seq.s32 s10, $0x1;
	s10 =	sld [smem:$0x3FB5];
	_ =	sdelay $0x3  }
0x34: {  	[smem:$0x3FB5] =	sst s10  }
0x35: {  	s10 =	sld [smem:$0x3FB4];
	_ =	sdelay $0x3  }
0x36: {  	p1 =	seq.s32 s10, $0x1;
	s10 =	sld [smem:$0x3FB5];
	_ =	sdelay $0x3  }
0x37: {  	[smem:$0x3FB5] =	sst s10  }
0x38: {  	s10 =	sld [smem:$0x3FB6]  }
0x39: {  	_ = 	snop;
	(pc) =	sbr.ind lr, $3  }
0x3a: {  	_ = 	snop  }
0x3b: {  	_ = 	snop  }
0x3c: {  	p2 =	seq.s32 s10, $0x1;
	s10 =	sld [smem:$0x3FB5]  }
0x3d: {  	_ =	shalt  }
0x3e: {  	_ =	shalt  }
0x3f: {  	_ =	shalt  }
0x40: {  	_ =	shalt  }
0x41: {  	_ =	shalt  }
0x42: {  	_ =	shalt  }
0x43: {  	_ =	shalt  }
0x44: {  	_ =	shalt  }
0x45: {  	_ =	shalt  }
0x46: {  	_ =	shalt  }
0x47: {  	_ =	shalt  }
0x48: {  	_ =	shalt  }
0x49: {  	_ =	shalt  }
0x4a: {  	_ =	shalt  }
0x4b: {  	_ =	shalt  }
0x4c: {  	_ =	shalt  }
0x4d: {  	_ =	shalt  }
0x4e: {  	_ =	shalt  }
0x4f: {  	_ =	shalt  }
0x50: {  	_ =	shalt  }
0x51: {  	_ =	shalt  }
0x52: {  	_ =	shalt  }
0x53: {  	_ =	shalt  }
0x54: {  	_ =	shalt  }
0x55: {  	_ =	shalt  }
0x56: {  	_ =	shalt  }
0x57: {  	_ =	shalt  }
0x58: {  	_ =	shalt  }
0x59: {  	_ =	shalt  }
0x5a: {  	_ =	shalt  }
0x5b: {  	_ =	shalt  }
0x5c: {  	_ =	shalt  }
0x5d: {  	_ =	shalt  }
0x5e: {  	_ =	shalt  }
0x5f: {  	_ =	shalt  }
0x60: {  	_ =	shalt  }
0x61: {  	_ =	shalt  }
0x62: {  	_ =	shalt  }
0x63: {  	_ =	shalt  }
0x64: {  	_ =	shalt  }
0x65: {  	_ =	shalt  }
0x66: {  	_ =	shalt  }
0x67: {  	_ =	shalt  }
0x68: {  	_ =	shalt  }
0x69: {  	_ =	shalt  }
0x6a: {  	_ =	shalt  }
0x6b: {  	_ =	shalt  }
0x6c: {  	_ =	shalt  }
0x6d: {  	_ =	shalt  }
0x6e: {  	_ =	shalt  }
0x6f: {  	_ =	shalt  }
0x70: {  	_ =	shalt  }
0x71: {  	_ =	shalt  }
0x72: {  	_ =	shalt  }
0x73: {  	_ =	shalt  }
0x74: {  	_ =	shalt  }
0x75: {  	_ =	shalt  }
0x76: {  	_ =	shalt  }
0x77: {  	_ =	shalt  }
0x78: {  	_ =	shalt  }
0x79: {  	_ =	shalt  }
0x7a: {  	_ =	shalt  }
0x7b: {  	_ =	shalt  }
0x7c: {  	_ =	shalt  }
0x7d: {  	_ =	shalt  }
0x7e: {  	_ =	shalt  }
0x7f: {  	_ =	shalt  }
0x80: {  	_ =	shalt  }
0x81: {  	_ =	shalt  }
0x82: {  	_ =	shalt  }
0x83: {  	_ =	shalt  }
0x84: {  	_ =	shalt  }
0x85: {  	_ =	shalt  }
0x86: {  	_ =	shalt  }
0x87: {  	_ =	shalt  }
.Lfunc_end0:
.L_simem_size_0:
called_computation.1_lowered:
.L_overlay_start_0:
0x88: {  	s2 =	sld [smem:$0x3FD9]  }
0x89: {  	s3 =	sld [smem:$0x3FFE];
	_ =	sdelay $0x1  }
0x8a: {  	s1 =	srdreg.scid  }
0x8b: {  	s0 =	sand.u32 $0x1, s1  }
0x8c: {  	s17 =	sshll.u32 s0, $0xA;
	s2 =	sadd.s32 s3, s2  }
0x8d: {  	s2 =	sadd.s32 s2, s17  }
0x8e: {  	[smem:$0x3FC1] =	sst s2  }
0x8f: {  	_ = 	snop  }
0x90: {  	s2 =	sld [smem:$0x3FD0];
	(tm) =	ssettm $0x1  }
0x91: {  	s18 =	sld [smem:$0x3FFB];
	_ =	sdelay $0x3  }
0x92: {  	_ =	strace s18  }
0x93: {  	s3 =	sld [smem:$0x3FFC];
	_ =	sdelay $0x3  }
0x94: {  	_ =	strace s3  }
0x95: {  	s3 =	sld [smem:$0x3FFD];
	_ =	sdelay $0x3  }
0x96: {  	_ =	strace s3  }
0x97: {  	_ =	strace $0x8FFFFFFF  }
0x98: {  	s19 =	sld [smem:$0x3FDB];
	_ =	sdelay $0x1  }
0x99: {  	s4 =	simm.s32 $_scs_section_size  }
0x9a: {  	s5 =	simm.s32 $_size__tile_overlayer_lowered;
	s6 =	simm.s32 $_tile_overlayer_lowered  }
0x9b: {  	s22 =	simm.s32 $0x1BFF;
	s21 =	sshll.u32 s6, $0x1;
	s3 =	sadd.s32 s4, s19  }
0x9c: {  	s7 =	simm.s32 $0x0;
	s20 =	sshll.u32 s5, $0x1;
	s5 =	sadd.s32 s21, s3  }
0x9d: {  	[timem:s7], [sflag:s22] =	dma.local [hbm:s5], s20  }
0x9e: {  	_ =	swait.ge [sflag:s22], s20  }
0x9f: {  	s4 =	ssub.s32 $0x0, s20;
	[sflag:s22] =	ssyncset.done $0x0  }
0xa0: {  	[sflag:s22] =	ssyncadd.s32 s4;
	_ =	sdelay $0x1  }
0xa1: {  	s23 =	simm.s32 $0x1B8B  }
0xa2: {  	_ =	swait.ge [sflag:s23], $0x1  }
0xa3: {  	[sflag:s23] =	ssyncset.done $0x0  }
0xa4: {  	s25 =	simm.s32 $0x1B8E;
	s24 =	sld [smem:$0x3FFE];
	[sflag:s23] =	ssyncadd.s32 $0xFFFFFFFF  }
0xa5: {  	s26 =	simm.s32 $execute0_lowered;
	[smem:$0x3FD2] =	sst s25  }
0xa6: {  	s5 =	sshll.u32 s26, $0x1;
	_ =	strace $0x80000049;
	[dreg:$0x1] =	wrdreg $0xFFFFFFFF  }
0xa7: {  	s28 =	simm.s32 $_size_execute0_lowered;
	s3 =	sadd.s32 s3, s5;
	[dreg:$0x0] =	wrdreg $0x0  }
0xa8: {  	s5 =	sshll.u32 s28, $0x1;
	[dreg:$0x2] =	wrdreg s3  }
0xa9: {  	[dreg:$0x3] =	wrdreg s5  }
0xaa: {  	[dreg:$0x4] =	wrdreg $0xC0  }
0xab: {  	_ =	task [dreg:s7], $0x5FFFF  }
0xac: {  	[dreg:$0x1] =	wrdreg $0xFFFFFFFF  }
0xad: {  	[dreg:$0x0] =	wrdreg $0x60  }
0xae: {  	[dreg:$0x2] =	wrdreg s24  }
0xaf: {  	[dreg:$0x3] =	wrdreg s2  }
0xb0: {  	[dreg:$0x4] =	wrdreg $0x112200  }
0xb1: {  	[dreg:$0x5] =	wrdreg $0x9  }
0xb2: {  	_ =	task.clear_ibuf [dreg:s7], $0x6FFFF;
	_ =	strace $0x90000049  }
0xb3: {  	s29 =	simm.s32 $0x9;
	_ =	strace $0x8000004B  }
0xb4: {  	_ =	swait.ge [sflag:s29], $0x1  }
0xb5: {  	[sflag:s29] =	ssyncadd.s32 $0xFFFFFFFF  }
0xb6: {  	_ =	strace $0x9000004B  }
0xb7: {  	_ =	sfence  }
0xb8: {  	s30 =	sld [smem:$0x0];
	_ =	sdelay $0x2  }
0xb9: {  	s31 =	sshll.u32 s1, $0xD;
	s1 =	sshrl.u32 s1, $0x2  }
0xba: {  	s3 =	sand.u32 $0x4000, s31;
	s1 =	sadd.s32 s1, s30  }
0xbb: {  	s0 =	sor.u32 s3, s0;
	s1 =	sshll.u32 s1, $0x11  }
0xbc: {  	s0 =	sor.u32 s1, s0  }
0xbd: {  	s0 =	sadd.s32 $0x8F2B, s0  }
0xbe: {  	[sflag:s0] =	ssyncadd.remote.s32 $0x1  }
0xbf: {  	_ =	sfence.sel $0xFFFF  }
0xc0: {  	[dreg:$0x0] =	wrdreg $0xFFFFFFFF;
	(pc) =	sbr.abs _section_cstart, $3  }
0xc1: {  	[dreg:$0x1] =	wrdreg $0xFFFFFFFF  }
0xc2: {  	_ =	task.clear_ibuf [dreg:s7], $0x2FFFF;
	_ =	strace $0x9FFFFFFF  }
0xc3: {  	(tm) =	ssettm $0x7FFFFFFF  }
tec
execute0_lowered:
.L_overlay_start_1:
0x0: {  	(tag) =	ssettag $0x1  }
0x1: {  	s0 =	srdreg.scid;
	s1 =	rddreg [dreg:$0x0]  }
0x2: {  	s12 =	stileid.u32;
	s5 =	rddreg [dreg:$0x1];
	s3 =	simm.s32 $0x0  }
0x3: {  	s14 =	simm.s32 $0xE;
	s15 =	simm.s32 $0x4E00;
	s16 =	simm.s32 $0x4E10  }
0x4: {  	s17 =	simm.s32 $0x80;
	s18 =	simm.s32 $0x4E20;
	s28 =	simm.s32 $0x9  }
0x5: {  	s29 =	simm.s32 $0xA;
	s30 =	simm.s32 $0xB;
	s31 =	simm.s32 $0xC  }
0x6: {  	s0 =	sand.u32 $0x1, s0;
	s2 =	sshll.u32 s12, $0x1;
	s8 =	smul.u32 $0x9E00, s12  }
0x7: {  	[smem:$0x7FF] =	sst s3;
	s4 =	sadd.s32 $0x6B800, s1;
	s24 =	sshll.u32 s12, $0x6  }
0x8: {  	s6 =	sor.u32 s0, s2;
	s2 =	rddreg [dreg:$0x2];
	s9 =	smul.u32 $0x9E000, s0  }
0x9: {  	_ =	strace $0x8000004A;
	s0 =	ssub.s32 $0x2, s0;
	s7 =	smul.u32 $0x4E0, s6  }
0xa: {  	s6 =	sshll.u32 s6, $0x1;
	s22 =	sshrl.u32 s0, $0x1;
	s23 =	sshrl.u32 s8, $0x3  }
0xb: {  	s13 =	sadd.s32 s8, s2;
	s20 =	sadd.s32 s8, s9;
	s11 =	sadd.s32 s6, s1  }
0xc: {  	s0 =	ssub.s32 s0, s22;
	s5 =	sadd.s32 s5, s23;
	s6 =	sor.u32 $0x1C0E, s24  }
0xd: {  	s13 =	sshrl.u32 s13, $0x3;
	s22 =	simm.s32 $0x10;
	s23 =	simm.s32 $0x10E20  }
0xe: {  	s24 =	simm.s32 $0x1;
	s10 =	sadd.s32 s7, s1;
	s21 =	sshrl.u32 s20, $0x3  }
.Ltmp0:
0xf: {  	[dreg:$0x4] =	wrdreg s5;
	s9 =	sadd.s32 $0x1C600, s11;
	(pc) =	sbr.rel .LBB2_1-.Ltmp0, $4  }
0x10: {  	s12 =	smax.u32 s0, $0x1;
	s0 =	simm.s32 $0x0;
	s25 =	sadd.s32 $0x12A00, s10  }
0x11: {  	s1 =	sadd.s32 s21, s1;
	s26 =	sadd.s32 $0x1200, s10;
	[dreg:$0x5] =	wrdreg s25  }
0x12: {  	s10 =	sadd.s32 $0xAE00, s11;
	[dreg:$0x6] =	wrdreg s26;
	s11 =	sadd.s32 $0x7F200, s1  }
0x13: {  	s25 =	simm.s32 $0x7;
	s26 =	simm.s32 $0x8;
	s1 =	simm.s32 $0xD  }
.LBB2_8:
0x14: {  	_ =	swait.ge [sflag:s25], $0x2000  }
0x15: {  	[sflag:s25] =	ssyncset.done $0x0  }
0x16: {  	[sflag:s25] =	ssyncadd.s32 $0xFFFFE000  }
0x17: {  	_ =	swait.ge [sflag:s26], $0x2000  }
0x18: {  	[sflag:s26] =	ssyncset.done $0x0  }
0x19: {  	[sflag:s26] =	ssyncadd.s32 $0xFFFFE000  }
0x1a: {  	_ =	swait.ge [sflag:s28], $0x2000  }
0x1b: {  	[sflag:s28] =	ssyncset.done $0x0  }
0x1c: {  	[sflag:s28] =	ssyncadd.s32 $0xFFFFE000  }
0x1d: {  	_ =	swait.ge [sflag:s29], $0x2000  }
0x1e: {  	[sflag:s29] =	ssyncset.done $0x0  }
0x1f: {  	[sflag:s29] =	ssyncadd.s32 $0xFFFFE000  }
0x20: {  	_ =	swait.ge [sflag:s30], $0x2000  }
0x21: {  	[sflag:s30] =	ssyncset.done $0x0  }
0x22: {  	[sflag:s30] =	ssyncadd.s32 $0xFFFFE000  }
0x23: {  	_ =	swait.ge [sflag:s31], $0x2000  }
0x24: {  	[sflag:s31] =	ssyncset.done $0x0  }
0x25: {  	[sflag:s31] =	ssyncadd.s32 $0xFFFFE000  }
0x26: {  	_ =	swait.ge [sflag:s1], $0x400  }
0x27: {  	[sflag:s1] =	ssyncset.done $0x0  }
0x28: {  	[sflag:s1] =	ssyncadd.s32 $0xFFFFFC00  }
0x29: {  	[spmem:s2] =	stream.indirect.scatter.add.f32 [tilespmem:s23], [sflag:$0xE], $0x40, s16, s22, $0xb8;
	[tilespmem:$0x1B020] =	vst v63  }
0x2a: {  	_ =	swait.ge [sflag:s14], $0x400  }
0x2b: {  	s0 =	sadd.s32 $0x1, s0;
	[sflag:s14] =	ssyncset.done $0x0  }
0x2c: {  	p0 =	sne.s32 s0, s12;
	[sflag:s14] =	ssyncadd.s32 $0xFFFFFC00  }
.Ltmp1:
0x2d: {  	[bflag:$0x0] =	sbarrier.arrive $0xFFFF;
	(pc) =	sbr.rel @!p0 .LBB2_9-.Ltmp1, $4  }
0x2e: {  	[hbm:s11], [sflag:s6] =	dma.local [spmem:s13], $0x13C0  }
0x2f: {  	_ =	swait.ge [sflag:s14], $0x13C0  }
0x30: {  	[sflag:s14] =	ssyncset.done $0x0  }
0x31: {  	[sflag:s14] =	ssyncadd.s32 $0xFFFFEC40  }
.LBB2_1:
0x32: {  	s5 =	rddreg [dreg:$0x4]  }
0x33: {  	[spmem:s13], [sflag:s6] =	dma.local [hbm:s5], $0x13C0  }
0x34: {  	_ =	swait.ge [sflag:s14], $0x13C0  }
0x35: {  	[sflag:s14] =	ssyncset.done $0x0  }
0x36: {  	s7 =	rddreg [dreg:$0x5];
	[sflag:s14] =	ssyncadd.s32 $0xFFFFEC40  }
0x37: {  	[tilespmem:s3], [sflag:$0xE] =	stream.linear.gather [hbm4b:s7+s3], $0x2700, $0x38;
	[tilespmem:$0x1B020] =	vst v63  }
0x38: {  	_ =	swait.ge [sflag:s14], $0x2700  }
0x39: {  	[sflag:s14] =	ssyncset.done $0x0  }
0x3a: {  	s19 =	simm.s32 $0x2700;
	s8 =	rddreg [dreg:$0x6];
	[sflag:s14] =	ssyncadd.s32 $0xFFFFD900  }
0x3b: {  	[tilespmem:s19], [sflag:$0xE] =	stream.linear.gather [hbm4b:s8+s3], $0x2700, $0x38;
	[tilespmem:$0x1B020] =	vst v63  }
0x3c: {  	_ =	swait.ge [sflag:s14], $0x2700  }
0x3d: {  	[sflag:s14] =	ssyncset.done $0x0  }
0x3e: {  	[sflag:s14] =	ssyncadd.s32 $0xFFFFD900  }
0x3f: {  	[tilespmem:s15], [sflag:$0xE] =	stream.linear.gather [hbm4b:s9+s3], $0x10, $0x38;
	[tilespmem:$0x1B020] =	vst v63  }
0x40: {  	_ =	swait.ge [sflag:s14], $0x10  }
0x41: {  	[sflag:s14] =	ssyncset.done $0x0  }
0x42: {  	[sflag:s14] =	ssyncadd.s32 $0xFFFFFFF0  }
0x43: {  	[tilespmem:s16], [sflag:$0xE] =	stream.linear.gather [hbm4b:s10+s3], $0x10, $0x38;
	[tilespmem:$0x1B020] =	vst v63  }
0x44: {  	_ =	swait.ge [sflag:s14], $0x10  }
0x45: {  	[sflag:s14] =	ssyncset.done $0x0  }
0x46: {  	[sflag:s14] =	ssyncadd.s32 $0xFFFFFFF0  }
0x47: {  	[bflag:$0x0] =	sbarrier.arrive $0xFFFF  }
0x48: {  	[tilespmem:s18], [sflag:$0x1] =	stream.indirect.gather [hbm4b:s4+s17], $0x40, s3, s17, $0xb8;
	[tilespmem:$0x1B020] =	vst v63  }
0x49: {  	s20 =	simm.s32 $0x6E20  }
0x4a: {  	[tilespmem:s20], [sflag:$0x2] =	stream.indirect.gather [hbm4b:s4+s17], $0x40, s17, s17, $0xb8;
	[tilespmem:$0x1B020] =	vst v63  }
.Ltmp2:
0x4b: {  	_ = 	snop;
	(pc) =	sbr.rel .LBB2_2-.Ltmp2, $4  }
0x4c: {  	s21 =	simm.s32 $0x100;
	s7 =	simm.s32 $0x8E20  }
0x4d: {  	[tilespmem:s7], [sflag:$0x3] =	stream.indirect.gather [hbm4b:s4+s17], $0x40, s21, s17, $0xb8;
	[tilespmem:$0x1B020] =	vst v63  }
0x4e: {  	s20 =	simm.s32 $0x180;
	s21 =	simm.s32 $0x0  }
0x4f: {  	[tilespmem:s23], [sflag:$0xD] =	stream.indirect.gather [hbm4b:s4+s22], $0x40, s15, s22, $0xb8;
	[tilespmem:$0x1B020] =	vst v63  }
.LBB2_5:
0x50: {  	p0 =	seq.s32 s5, $0x3  }
0x51: {  	s7 =	simm.s32 @p0 $0x4  }
0x52: {  	_ =	swait.ge @p0 [sflag:s7], $0x2000  }
0x53: {  	[sflag:s7] =	ssyncset.done @p0 $0x0  }
0x54: {  	s8 =	simm.s32 @p0 $0xAE20;
	[sflag:s7] =	ssyncadd.s32 @p0 $0xFFFFE000;
	s7 =	simm.s32 @p0 $0x80  }
0x55: {  	[spmem:s2] =	stream.indirect.scatter.add.f32 @p0 [tilespmem:s8], [sflag:$0xA], $0x40, s19, s7, $0xb8;
	[tilespmem:$0x1B020] =	vst v63  }
0x56: {  	s7 =	sadd.s32 @p0 $0xFFFFFFFD, s21  }
0x57: {  	p1 =	sgt.u32 @p0 s7, $0x47  }
0x58: {  	p1 =	por p1, !p0  }
0x59: {  	s7 =	simm.s32 @!p1 $0x7  }
0x5a: {  	_ =	swait.ge @!p1 [sflag:s7], $0x2000  }
0x5b: {  	[sflag:s7] =	ssyncset.done @!p1 $0x0  }
0x5c: {  	s8 =	simm.s32 @!p1 $0x4E20;
	[sflag:s7] =	ssyncadd.s32 @!p1 $0xFFFFE000;
	s7 =	simm.s32 @!p1 $0x80  }
0x5d: {  	[tilespmem:s8], [sflag:$0x1] =	stream.indirect.gather @!p1 [hbm4b:s4+s7], $0x40, s20, s7, $0xb8;
	[tilespmem:$0x1B020] =	vst v63  }
0x5e: {  	p1 =	seq.s32 @!p0 s5, $0x4  }
0x5f: {  	p2 =	por !p1, p0  }
0x60: {  	s5 =	simm.s32 @!p2 $0x5  }
0x61: {  	_ =	swait.ge @!p2 [sflag:s5], $0x2000  }
0x62: {  	[sflag:s5] =	ssyncset.done @!p2 $0x0  }
0x63: {  	s7 =	simm.s32 @!p2 $0xCE20;
	[sflag:s5] =	ssyncadd.s32 @!p2 $0xFFFFE000;
	s5 =	simm.s32 @!p2 $0x80  }
0x64: {  	[spmem:s2] =	stream.indirect.scatter.add.f32 @!p2 [tilespmem:s7], [sflag:$0xB], $0x40, s19, s5, $0xb8;
	[tilespmem:$0x1B020] =	vst v63  }
0x65: {  	s5 =	sadd.s32 @!p2 $0xFFFFFFFD, s21  }
0x66: {  	p2 =	sgt.u32 @!p2 s5, $0x47  }
0x67: {  	p2 =	por @!p0 p2, !p1  }
0x68: {  	p2 =	por p2, p0  }
0x69: {  	s5 =	simm.s32 @!p2 $0x8  }
0x6a: {  	_ =	swait.ge @!p2 [sflag:s5], $0x2000  }
0x6b: {  	[sflag:s5] =	ssyncset.done @!p2 $0x0  }
0x6c: {  	s7 =	simm.s32 @!p2 $0x6E20;
	[sflag:s5] =	ssyncadd.s32 @!p2 $0xFFFFE000;
	s5 =	simm.s32 @!p2 $0x80  }
0x6d: {  	[tilespmem:s7], [sflag:$0x2] =	stream.indirect.gather @!p2 [hbm4b:s4+s5], $0x40, s20, s5, $0xb8;
	[tilespmem:$0x1B020] =	vst v63  }
0x6e: {  	p2 =	por p1, p0  }
0x6f: {  	s5 =	simm.s32 @!p2 $0x6  }
0x70: {  	_ =	swait.ge @!p2 [sflag:s5], $0x2000  }
0x71: {  	[sflag:s5] =	ssyncset.done @!p2 $0x0  }
0x72: {  	s7 =	simm.s32 @!p2 $0xEE20;
	[sflag:s5] =	ssyncadd.s32 @!p2 $0xFFFFE000;
	s5 =	simm.s32 @!p2 $0x80  }
0x73: {  	[spmem:s2] =	stream.indirect.scatter.add.f32 @!p2 [tilespmem:s7], [sflag:$0xC], $0x40, s19, s5, $0xb8;
	[tilespmem:$0x1B020] =	vst v63  }
0x74: {  	s5 =	sadd.s32 @!p2 $0xFFFFFFFD, s21  }
0x75: {  	p2 =	sgt.u32 @!p2 s5, $0x47  }
0x76: {  	p1 =	por @!p0 p2, p1  }
0x77: {  	p0 =	por p1, p0  }
0x78: {  	s5 =	simm.s32 @!p0 $0x9  }
0x79: {  	_ =	swait.ge @!p0 [sflag:s5], $0x2000  }
0x7a: {  	[sflag:s5] =	ssyncset.done @!p0 $0x0  }
0x7b: {  	s7 =	simm.s32 @!p0 $0x8E20;
	[sflag:s5] =	ssyncadd.s32 @!p0 $0xFFFFE000;
	s5 =	simm.s32 @!p0 $0x80  }
0x7c: {  	[tilespmem:s7], [sflag:$0x3] =	stream.indirect.gather @!p0 [hbm4b:s4+s5], $0x40, s20, s5, $0xb8;
	[tilespmem:$0x1B020] =	vst v63  }
.LBB2_7:
0x7d: {  	s21 =	sadd.s32 $0x1, s21  }
0x7e: {  	p0 =	sne.s32 s21, $0x4E  }
.Ltmp3:
0x7f: {  	_ = 	snop;
	(pc) =	sbr.rel @!p0 .LBB2_8-.Ltmp3, $2  }
0x80: {  	_ =	sdelay $0x2  }
0x81: {  	s20 =	sadd.s32 $0x80, s20;
	s19 =	sadd.s32 $0x80, s19  }
.LBB2_2:
0x82: {  	s5 =	smul.u32 $0xAB, s21;
	_ =	sdelay $0x1  }
0x83: {  	s5 =	sshrl.u32 s5, $0xA  }
0x84: {  	s5 =	sand.u32 $0x3F, s5  }
0x85: {  	s5 =	smul.u32 $0x6, s5;
	_ =	sdelay $0x1  }
0x86: {  	s5 =	ssub.s32 s21, s5  }
0x87: {  	s5 =	sand.u32 $0xFF, s5  }
0x88: {  	p0 =	sgt.s32 s5, $0x2  }
.Ltmp4:
0x89: {  	_ = 	snop;
	(pc) =	sbr.rel @p0 .LBB2_5-.Ltmp4, $1  }
0x8a: {  	_ =	sdelay $0x3  }
0x8b: {  	p0 =	seq.s32 s5, $0x0  }
.Ltmp5:
0x8c: {  	_ = 	snop;
	(pc) =	sbr.rel @p0 .LBB2_6-.Ltmp5, $1  }
0x8d: {  	_ =	sdelay $0x3  }
0x8e: {  	p0 =	seq.s32 s5, $0x1  }
0x8f: {  	s5 =	simm.s32 @p0 $0x2  }
0x90: {  	_ =	swait.ge @p0 [sflag:s5], $0x2000  }
0x91: {  	[sflag:s5] =	ssyncset.done @p0 $0x0  }
0x92: {  	s7 =	simm.s32 @p0 $0x6E20;
	[sflag:s5] =	ssyncadd.s32 @p0 $0xFFFFE000;
	s5 =	simm.s32 @p0 $0x80  }
0x93: {  	[spmem:s2] =	stream.indirect.scatter.add.f32 @p0 [tilespmem:s7], [sflag:$0x8], $0x40, s19, s5, $0xb8;
	[tilespmem:$0x1B020] =	vst v63  }
0x94: {  	s5 =	sadd.s32 @p0 $0xFFFFFFFD, s21  }
0x95: {  	p1 =	sgt.u32 @p0 s5, $0x47  }
0x96: {  	p2 =	por !p1, !p0  }
0x97: {  	p2 =	sgt.u32 @!p2 s21, $0x2  }
0x98: {  	p2 =	por @p0 p2, !p1  }
0x99: {  	p2 =	por p2, !p0  }
0x9a: {  	p1 =	por p1, !p0;
	s5 =	simm.s32 @!p2 $0x80;
	s7 =	simm.s32 @!p2 $0xCE20  }
0x9b: {  	[tilespmem:s7], [sflag:$0x5] =	stream.indirect.gather @!p2 [hbm4b:s4+s5], $0x40, s20, s5, $0xb8;
	[tilespmem:$0x1B020] =	vst v63  }
0x9c: {  	s5 =	simm.s32 @!p1 $0xB  }
0x9d: {  	_ =	swait.ge @!p1 [sflag:s5], $0x2000  }
0x9e: {  	[sflag:s5] =	ssyncset.done @!p1 $0x0  }
0x9f: {  	s7 =	simm.s32 @!p1 $0xCE20;
	[sflag:s5] =	ssyncadd.s32 @!p1 $0xFFFFE000;
	s5 =	simm.s32 @!p1 $0x80  }
0xa0: {  	[tilespmem:s7], [sflag:$0x5] =	stream.indirect.gather @!p1 [hbm4b:s4+s5], $0x40, s20, s5, $0xb8;
	[tilespmem:$0x1B020] =	vst v63  }
0xa1: {  	s5 =	simm.s32 @!p0 $0x3  }
0xa2: {  	_ =	swait.ge @!p0 [sflag:s5], $0x2000  }
0xa3: {  	[sflag:s5] =	ssyncset.done @!p0 $0x0  }
0xa4: {  	s7 =	simm.s32 @!p0 $0x8E20;
	[sflag:s5] =	ssyncadd.s32 @!p0 $0xFFFFE000;
	s5 =	simm.s32 @!p0 $0x80  }
0xa5: {  	[spmem:s2] =	stream.indirect.scatter.add.f32 @!p0 [tilespmem:s7], [sflag:$0x9], $0x40, s19, s5, $0xb8;
	[tilespmem:$0x1B020] =	vst v63  }
0xa6: {  	s5 =	sadd.s32 @!p0 $0xFFFFFFFD, s21  }
0xa7: {  	p1 =	sgt.u32 @!p0 s5, $0x47  }
0xa8: {  	p2 =	por !p1, p0  }
0xa9: {  	p2 =	sgt.u32 @!p2 s21, $0x2  }
0xaa: {  	p2 =	por @!p0 p2, !p1  }
0xab: {  	p2 =	por p2, p0  }
0xac: {  	p0 =	por p1, p0;
	s5 =	simm.s32 @!p2 $0x80;
	s7 =	simm.s32 @!p2 $0xEE20  }
0xad: {  	[tilespmem:s7], [sflag:$0x6] =	stream.indirect.gather @!p2 [hbm4b:s4+s5], $0x40, s20, s5, $0xb8;
	[tilespmem:$0x1B020] =	vst v63  }
.Ltmp6:
0xae: {  	s5 =	simm.s32 @!p0 $0xC;
	(pc) =	sbr.rel .LBB2_7-.Ltmp6, $4  }
0xaf: {  	_ =	swait.ge @!p0 [sflag:s5], $0x2000  }
0xb0: {  	[sflag:s5] =	ssyncset.done @!p0 $0x0  }
0xb1: {  	s7 =	simm.s32 @!p0 $0xEE20;
	[sflag:s5] =	ssyncadd.s32 @!p0 $0xFFFFE000;
	s5 =	simm.s32 @!p0 $0x80  }
0xb2: {  	[tilespmem:s7], [sflag:$0x6] =	stream.indirect.gather @!p0 [hbm4b:s4+s5], $0x40, s20, s5, $0xb8;
	[tilespmem:$0x1B020] =	vst v63  }
.LBB2_6:
0xb3: {  	_ =	swait.ge [sflag:s24], $0x2000;
	s5 =	sadd.s32 $0xFFFFFFFD, s21  }
0xb4: {  	[sflag:s24] =	ssyncset.done $0x0;
	p0 =	sgt.u32 s5, $0x47  }
0xb5: {  	[sflag:s24] =	ssyncadd.s32 $0xFFFFE000;
	p1 =	sgt.u32 @p0 s21, $0x2  }
0xb6: {  	[spmem:s2] =	stream.indirect.scatter.add.f32 [tilespmem:s18], [sflag:$0x7], $0x40, s19, s17, $0xb8;
	[tilespmem:$0x1B020] =	vst v63  }
0xb7: {  	p1 =	por p1, !p0  }
0xb8: {  	s5 =	simm.s32 @!p1 $0x80;
	s7 =	simm.s32 @!p1 $0xAE20  }
0xb9: {  	[tilespmem:s7], [sflag:$0x4] =	stream.indirect.gather @!p1 [hbm4b:s4+s5], $0x40, s20, s5, $0xb8;
	[tilespmem:$0x1B020] =	vst v63  }
.Ltmp7:
0xba: {  	s5 =	simm.s32 @!p0 $0xA;
	(pc) =	sbr.rel .LBB2_7-.Ltmp7, $4  }
0xbb: {  	_ =	swait.ge @!p0 [sflag:s5], $0x2000  }
0xbc: {  	[sflag:s5] =	ssyncset.done @!p0 $0x0  }
0xbd: {  	s7 =	simm.s32 @!p0 $0xAE20;
	[sflag:s5] =	ssyncadd.s32 @!p0 $0xFFFFE000;
	s5 =	simm.s32 @!p0 $0x80  }
0xbe: {  	[tilespmem:s7], [sflag:$0x4] =	stream.indirect.gather @!p0 [hbm4b:s4+s5], $0x40, s20, s5, $0xb8;
	[tilespmem:$0x1B020] =	vst v63  }
.LBB2_9:
0xbf: {  	_ =	sfence.sel $0x180000  }
0xc0: {  	[bflag:$0x0] =	sbarrier.arrive $0xFFFF  }
0xc1: {  	_ =	strace $0x9000004A  }
0xc2: {  	s0 =	stileid.u32;
	[bflag:$0x2] =	sbarrier.arrive $0xFFFF  }
0xc3: {  	p0 =	sne.s32 s0, $0x0;
	s0 =	rddreg [dreg:$0x3]  }
0xc4: {  	s0 =	sadd.s32 @!p0 $0x100000, s0  }
0xc5: {  	[sflag:s0] =	ssyncadd.tile.s32 @!p0 $0x1;
	_ =	shalt  }
.Lfunc_end2:
_tile_overlayer_lowered:
.L_overlay_start_2:
0xc6: {  	(tag) =	ssettag $0x2  }
0xc7: {  	s0 =	rddreg [dreg:$0x0];
	s2 =	stileid.u32  }
0xc8: {  	s1 =	rddreg [dreg:$0x1];
	p0 =	sne.s32 s2, $0x0  }
0xc9: {  	s3 =	rddreg [dreg:$0x2];
	[bflag:$0x3] =	sbarrier.arrive $0xFFFF;
	s2 =	simm.s32 @!p0 $0x1C0E  }
0xca: {  	[timem:s3], [sflag:s2] =	dma.local @!p0 [hbm:s0], s1  }
0xcb: {  	s0 =	simm.s32 @!p0 $0xE  }
0xcc: {  	_ =	swait.ge @!p0 [sflag:s0], s1  }
0xcd: {  	s1 =	ssub.s32 @!p0 $0x0, s1;
	[sflag:s0] =	ssyncset.done @!p0 $0x0  }
0xce: {  	[sflag:s0] =	ssyncadd.s32 @!p0 s1  }
0xcf: {  	[bflag:$0x3] =	sbarrier.arrive $0xFFFF  }
0xd0: {  	_ =	shalt  }

</sc_bundles>
